<compile_context>
chip_gen: v7x
topology: tpu7x:2x2x1
jax: 0.10.2.dev20260603
libtpu: 0.0.44.dev20260713+nightly
codegen_flags: <defaults>
</compile_context>

<pallas_src>
import functools

import jax
import jax.numpy as jnp
from jax import lax
from jax.experimental import pallas as pl
from jax.experimental.pallas import tpu as pltpu
from jax.experimental.pallas import tpu_sc as plsc

N = 262144
C = 256
NC = 2
NS = 16
L = 16
NW = NC * NS
PER_W = N // NW
CH = 32
NCHK = PER_W // CH
NBUF = 8
KSUB = CH // L


def _build_ppd_kernel():
    mesh = plsc.VectorSubcoreMesh(core_axis_name="c", subcore_axis_name="s")

    @functools.partial(
        pl.kernel,
        out_type=[
            jax.ShapeDtypeStruct((NC, L), jnp.float32),
            jax.ShapeDtypeStruct((NC, L), jnp.float32),
        ],
        mesh=mesh,
        compiler_params=pltpu.CompilerParams(needs_layout_passes=False),
        scratch_types=[
            pltpu.VMEM((PER_W,), jnp.int32),
            pltpu.VMEM((NBUF, CH, C), jnp.float32),
            pltpu.VMEM((2, L), jnp.float32),
            pltpu.VMEM((NS, 2, L), jnp.float32),
            pltpu.VMEM((L,), jnp.float32),
            pltpu.VMEM((L,), jnp.float32),
            pltpu.VMEM_SHARED((NS, 2, L), jnp.float32),
            pltpu.SemaphoreType.DMA((NBUF,)),
        ],
    )
    def ppd_kernel(logits_hbm, tgt_hbm, out_sum_hbm, out_cnt_hbm,
                   tgt_v, ring_v, part_v, red_v,
                   row_v, row2_v, shared, sems):
        cid = lax.axis_index("c")
        sid = lax.axis_index("s")
        wid = sid * NC + cid
        base = wid * PER_W

        pltpu.sync_copy(tgt_hbm.at[pl.ds(base, PER_W)], tgt_v)

        lane_it = lax.iota(jnp.int32, L)

        def issue(c, b):
            pltpu.async_copy(logits_hbm.at[pl.ds(base + c * CH, CH)],
                             ring_v.at[b], sems.at[b])

        def wait(c, b):
            pltpu.make_async_copy(logits_hbm.at[pl.ds(base + c * CH, CH)],
                                  ring_v.at[b], sems.at[b]).wait()

        def extract(c, b, acc, cnt):
            for kk in range(KSUB):
                t = tgt_v[pl.ds(c * CH + kk * L, L)]
                rowk = lane_it + (kk * L)
                x = plsc.load_gather(ring_v.at[b], [rowk, t])
                valid = t != 0
                d_ = 1.0 - x
                acc = acc + jnp.where(valid, d_ * d_, 0.0)
                cnt = cnt + jnp.where(valid, 1.0, 0.0)
            return acc, cnt

        for b in range(NBUF):
            issue(b, b)

        def pipe_body(gg, carry):
            acc, cnt = carry
            for b in range(NBUF):
                c = gg * NBUF + b
                wait(c, b)
                acc, cnt = extract(c, b, acc, cnt)

                @pl.when(c + NBUF < NCHK)
                def _():
                    issue(c + NBUF, b)

            return acc, cnt

        zero = jnp.zeros((L,), jnp.float32)
        acc, cnt = lax.fori_loop(0, NCHK // NBUF, pipe_body, (zero, zero),
                                 unroll=False)

        part_v[0, :] = acc
        part_v[1, :] = cnt
        pltpu.sync_copy(part_v, shared.at[sid])
        plsc.subcore_barrier()

        @pl.when(sid == 0)
        def _():
            pltpu.sync_copy(shared, red_v)
            s = jnp.zeros((L,), jnp.float32)
            c_ = jnp.zeros((L,), jnp.float32)
            for w in range(NS):
                s = s + red_v[w, 0, :]
                c_ = c_ + red_v[w, 1, :]
            s_tot = s[0]
            c_tot = c_[0]
            for i in range(1, L):
                s_tot = s_tot + s[i]
                c_tot = c_tot + c_[i]
            row_v[...] = jnp.full((L,), s_tot, jnp.float32)
            pltpu.sync_copy(row_v, out_sum_hbm.at[cid])
            row2_v[...] = jnp.full((L,), c_tot, jnp.float32)
            pltpu.sync_copy(row2_v, out_cnt_hbm.at[cid])

    return ppd_kernel


_PPD = _build_ppd_kernel()


@jax.jit
def kernel(contrast_logits, contrast_target):
    tgt = contrast_target.astype(jnp.int32)
    sums, cnts = _PPD(contrast_logits, tgt)
    return (sums[0, 0] + sums[1, 0]) / (cnts[0, 0] + cnts[1, 0])

# --- scband reference (transcript-rebuilt; emitter-appended) ---
"""Pipeline reference for scband-ppd-23854248362662 (READ-ONLY COPY).

The authoritative reference and input builder live on the scoring server;
editing this copy changes nothing except your own understanding.
"""

import jax, jax.numpy as jnp
import numpy as np

IGNORE_INDEX = 0


def setup_inputs(seed: int = 0) -> dict:
    key = jax.random.key(seed)
    k1, k2 = jax.random.split(key)
    contrast_logits = jax.random.normal(k1, (262144, 256), dtype=jnp.float32)
    contrast_target = jax.random.randint(k2, (262144,), 0, 256, dtype=jnp.int64)
    return {"contrast_logits": contrast_logits, "contrast_target": contrast_target}


def reference(contrast_logits, contrast_target):
    # Faithful translation of PPD.forward. Boolean masking is replaced by an
    # equivalent where-weighted mean over the valid (non-ignored) positions,
    # which yields the identical scalar value and is trace-friendly.
    valid = contrast_target != IGNORE_INDEX
    idx = contrast_target[:, None].astype(jnp.int32)
    logits = jnp.take_along_axis(contrast_logits, idx, axis=1)[:, 0]
    sq = (1.0 - logits) ** 2
    num = jnp.sum(jnp.where(valid, sq, 0.0))
    den = jnp.sum(valid.astype(jnp.float32))
    loss_ppd = num / den
    return loss_ppd

if __name__ == "__main__":
    import jax
    _d = setup_inputs()
    print(jax.jit(kernel)(*tuple(_d.values())))

</pallas_src>

<mosaic_0001>
#map = affine_map<(d0, d1) -> (0, 0)>
#map1 = affine_map<(d0, d1) -> (0)>
module attributes {stable_mosaic.version = 14 : i64} {
  func.func @ppd_kernel(%arg0: i32, %arg1: i32, %arg2: memref<262144x256xf32, #tpu.memory_space<hbm>>, %arg3: memref<262144xi32, #tpu.memory_space<hbm>>, %arg4: memref<2x16xf32, #tpu.memory_space<hbm>>, %arg5: memref<2x16xf32, #tpu.memory_space<hbm>>, %arg6: memref<8192xi32, #tpu.memory_space<vmem>>, %arg7: memref<8x32x256xf32, #tpu.memory_space<vmem>>, %arg8: memref<2x16xf32, #tpu.memory_space<vmem>>, %arg9: memref<16x2x16xf32, #tpu.memory_space<vmem>>, %arg10: memref<16xf32, #tpu.memory_space<vmem>>, %arg11: memref<16xf32, #tpu.memory_space<vmem>>, %arg12: memref<16x2x16xf32, #tpu.memory_space<vmem_shared>>, %arg13: memref<8x!tpu.dma_semaphore, #tpu.memory_space<semaphore_mem>>) attributes {dimension_semantics = [#tpu.dimension_semantics<core_parallel>, #tpu.dimension_semantics<subcore_parallel>], iteration_bounds = array<i64: 2, 16>, scalar_prefetch = 0 : i64, scratch_operands = 8 : i64, tpu.core_type = #tpu.core_type<sc_vector_subcore>, window_params = [{transform_indices = #map}, {transform_indices = #map1}, {transform_indices = #map}, {transform_indices = #map}]} {
    %mul3A = arith.constant 2 : i32
    %mul3A_0 = arith.muli %arg1, %mul3A : i32
    %add3A = arith.addi %mul3A_0, %arg0 : i32
    %mul3A_1 = arith.constant 8192 : i32
    %mul3A_2 = arith.muli %add3A, %mul3A_1 : i32
    "tpu.region"() ({
      %run_scoped3A = tpu.sem_alloc : memref<!tpu.dma_semaphore, #tpu.memory_space<semaphore_mem>>
      %dma_start3A_161 = tpu.memref_slice %arg3[%mul3A_2] : memref<262144xi32, #tpu.memory_space<hbm>> -> memref<8192xi32, #tpu.memory_space<hbm>>
      %dma_start3A_162 = tpu.memref_slice %arg3[%mul3A_2] : memref<262144xi32, #tpu.memory_space<hbm>> -> memref<8192xi32, #tpu.memory_space<hbm>>
      tpu.enqueue_dma source(%dma_start3A_162 : memref<8192xi32, #tpu.memory_space<hbm>>) target(%arg6 : memref<8192xi32, #tpu.memory_space<vmem>>) target_semaphore(%run_scoped3A : memref<!tpu.dma_semaphore, #tpu.memory_space<semaphore_mem>>)
      %dma_wait3A = tpu.memref_slice %arg3[%mul3A_2] : memref<262144xi32, #tpu.memory_space<hbm>> -> memref<8192xi32, #tpu.memory_space<hbm>>
      %dma_wait3A_163 = tpu.memref_slice %arg3[%mul3A_2] : memref<262144xi32, #tpu.memory_space<hbm>> -> memref<8192xi32, #tpu.memory_space<hbm>>
      tpu.wait_dma2 semaphore(%run_scoped3A : memref<!tpu.dma_semaphore, #tpu.memory_space<semaphore_mem>>) src(%dma_wait3A_163 : memref<8192xi32, #tpu.memory_space<hbm>>) dst(%arg6 : memref<8192xi32, #tpu.memory_space<vmem>>)
      tpu.yield
    }) : () -> ()
    %iota3A = tpu.iota {dimensions = array<i32: 0>} : vector<16xi32>
    %add3A_3 = arith.constant 0 : i32
    %add3A_4 = arith.addi %mul3A_2, %add3A_3 : i32
    %dma_start3A = arith.constant 0 : i32
    %dma_start3A_5 = arith.constant 0 : i32
    %dma_start3A_6 = arith.constant 0 : i32
    %dma_start3A_7 = arith.constant 0 : i32
    %dma_start3A_8 = tpu.memref_slice %arg7[%dma_start3A, %dma_start3A_6, %dma_start3A_7] : memref<8x32x256xf32, #tpu.memory_space<vmem>> -> memref<1x32x256xf32, #tpu.memory_space<vmem>>
    %dma_start3A_9 = tpu.memref_squeeze %dma_start3A_8 : memref<1x32x256xf32, #tpu.memory_space<vmem>> -> memref<32x256xf32, #tpu.memory_space<vmem>>
    %dma_start3A_10 = arith.constant 0 : i32
    %dma_start3A_11 = tpu.memref_slice %arg2[%add3A_4, %dma_start3A_10] : memref<262144x256xf32, #tpu.memory_space<hbm>> -> memref<32x256xf32, #tpu.memory_space<hbm>>
    %dma_start3A_12 = tpu.memref_slice %arg13[%dma_start3A_5] : memref<8x!tpu.dma_semaphore, #tpu.memory_space<semaphore_mem>> -> memref<1x!tpu.dma_semaphore, #tpu.memory_space<semaphore_mem>>
    %dma_start3A_13 = tpu.memref_squeeze %dma_start3A_12 : memref<1x!tpu.dma_semaphore, #tpu.memory_space<semaphore_mem>> -> memref<!tpu.dma_semaphore, #tpu.memory_space<semaphore_mem>>
    %dma_start3A_14 = arith.constant 0 : i32
    %dma_start3A_15 = arith.constant 0 : i32
    %dma_start3A_16 = tpu.memref_slice %arg7[%dma_start3A, %dma_start3A_14, %dma_start3A_15] : memref<8x32x256xf32, #tpu.memory_space<vmem>> -> memref<1x32x256xf32, #tpu.memory_space<vmem>>
    %dma_start3A_17 = tpu.memref_squeeze %dma_start3A_16 : memref<1x32x256xf32, #tpu.memory_space<vmem>> -> memref<32x256xf32, #tpu.memory_space<vmem>>
    %dma_start3A_18 = arith.constant 0 : i32
    %dma_start3A_19 = tpu.memref_slice %arg2[%add3A_4, %dma_start3A_18] : memref<262144x256xf32, #tpu.memory_space<hbm>> -> memref<32x256xf32, #tpu.memory_space<hbm>>
    tpu.enqueue_dma source(%dma_start3A_19 : memref<32x256xf32, #tpu.memory_space<hbm>>) target(%dma_start3A_17 : memref<32x256xf32, #tpu.memory_space<vmem>>) target_semaphore(%dma_start3A_13 : memref<!tpu.dma_semaphore, #tpu.memory_space<semaphore_mem>>)
    %add3A_20 = arith.constant 32 : i32
    %add3A_21 = arith.addi %mul3A_2, %add3A_20 : i32
    %dma_start3A_22 = arith.constant 1 : i32
    %dma_start3A_23 = arith.constant 1 : i32
    %dma_start3A_24 = arith.constant 0 : i32
    %dma_start3A_25 = arith.constant 0 : i32
    %dma_start3A_26 = tpu.memref_slice %arg7[%dma_start3A_22, %dma_start3A_24, %dma_start3A_25] : memref<8x32x256xf32, #tpu.memory_space<vmem>> -> memref<1x32x256xf32, #tpu.memory_space<vmem>>
    %dma_start3A_27 = tpu.memref_squeeze %dma_start3A_26 : memref<1x32x256xf32, #tpu.memory_space<vmem>> -> memref<32x256xf32, #tpu.memory_space<vmem>>
    %dma_start3A_28 = arith.constant 0 : i32
    %dma_start3A_29 = tpu.memref_slice %arg2[%add3A_21, %dma_start3A_28] : memref<262144x256xf32, #tpu.memory_space<hbm>> -> memref<32x256xf32, #tpu.memory_space<hbm>>
    %dma_start3A_30 = tpu.memref_slice %arg13[%dma_start3A_23] : memref<8x!tpu.dma_semaphore, #tpu.memory_space<semaphore_mem>> -> memref<1x!tpu.dma_semaphore, #tpu.memory_space<semaphore_mem>>
    %dma_start3A_31 = tpu.memref_squeeze %dma_start3A_30 : memref<1x!tpu.dma_semaphore, #tpu.memory_space<semaphore_mem>> -> memref<!tpu.dma_semaphore, #tpu.memory_space<semaphore_mem>>
    %dma_start3A_32 = arith.constant 0 : i32
    %dma_start3A_33 = arith.constant 0 : i32
    %dma_start3A_34 = tpu.memref_slice %arg7[%dma_start3A_22, %dma_start3A_32, %dma_start3A_33] : memref<8x32x256xf32, #tpu.memory_space<vmem>> -> memref<1x32x256xf32, #tpu.memory_space<vmem>>
    %dma_start3A_35 = tpu.memref_squeeze %dma_start3A_34 : memref<1x32x256xf32, #tpu.memory_space<vmem>> -> memref<32x256xf32, #tpu.memory_space<vmem>>
    %dma_start3A_36 = arith.constant 0 : i32
    %dma_start3A_37 = tpu.memref_slice %arg2[%add3A_21, %dma_start3A_36] : memref<262144x256xf32, #tpu.memory_space<hbm>> -> memref<32x256xf32, #tpu.memory_space<hbm>>
    tpu.enqueue_dma source(%dma_start3A_37 : memref<32x256xf32, #tpu.memory_space<hbm>>) target(%dma_start3A_35 : memref<32x256xf32, #tpu.memory_space<vmem>>) target_semaphore(%dma_start3A_31 : memref<!tpu.dma_semaphore, #tpu.memory_space<semaphore_mem>>)
    %add3A_38 = arith.constant 64 : i32
    %add3A_39 = arith.addi %mul3A_2, %add3A_38 : i32
    %dma_start3A_40 = arith.constant 2 : i32
    %dma_start3A_41 = arith.constant 2 : i32
    %dma_start3A_42 = arith.constant 0 : i32
    %dma_start3A_43 = arith.constant 0 : i32
    %dma_start3A_44 = tpu.memref_slice %arg7[%dma_start3A_40, %dma_start3A_42, %dma_start3A_43] : memref<8x32x256xf32, #tpu.memory_space<vmem>> -> memref<1x32x256xf32, #tpu.memory_space<vmem>>
    %dma_start3A_45 = tpu.memref_squeeze %dma_start3A_44 : memref<1x32x256xf32, #tpu.memory_space<vmem>> -> memref<32x256xf32, #tpu.memory_space<vmem>>
    %dma_start3A_46 = arith.constant 0 : i32
    %dma_start3A_47 = tpu.memref_slice %arg2[%add3A_39, %dma_start3A_46] : memref<262144x256xf32, #tpu.memory_space<hbm>> -> memref<32x256xf32, #tpu.memory_space<hbm>>
    %dma_start3A_48 = tpu.memref_slice %arg13[%dma_start3A_41] : memref<8x!tpu.dma_semaphore, #tpu.memory_space<semaphore_mem>> -> memref<1x!tpu.dma_semaphore, #tpu.memory_space<semaphore_mem>>
    %dma_start3A_49 = tpu.memref_squeeze %dma_start3A_48 : memref<1x!tpu.dma_semaphore, #tpu.memory_space<semaphore_mem>> -> memref<!tpu.dma_semaphore, #tpu.memory_space<semaphore_mem>>
    %dma_start3A_50 = arith.constant 0 : i32
    %dma_start3A_51 = arith.constant 0 : i32
    %dma_start3A_52 = tpu.memref_slice %arg7[%dma_start3A_40, %dma_start3A_50, %dma_start3A_51] : memref<8x32x256xf32, #tpu.memory_space<vmem>> -> memref<1x32x256xf32, #tpu.memory_space<vmem>>
    %dma_start3A_53 = tpu.memref_squeeze %dma_start3A_52 : memref<1x32x256xf32, #tpu.memory_space<vmem>> -> memref<32x256xf32, #tpu.memory_space<vmem>>
    %dma_start3A_54 = arith.constant 0 : i32
    %dma_start3A_55 = tpu.memref_slice %arg2[%add3A_39, %dma_start3A_54] : memref<262144x256xf32, #tpu.memory_space<hbm>> -> memref<32x256xf32, #tpu.memory_space<hbm>>
    tpu.enqueue_dma source(%dma_start3A_55 : memref<32x256xf32, #tpu.memory_space<hbm>>) target(%dma_start3A_53 : memref<32x256xf32, #tpu.memory_space<vmem>>) target_semaphore(%dma_start3A_49 : memref<!tpu.dma_semaphore, #tpu.memory_space<semaphore_mem>>)
    %add3A_56 = arith.constant 96 : i32
    %add3A_57 = arith.addi %mul3A_2, %add3A_56 : i32
    %dma_start3A_58 = arith.constant 3 : i32
    %dma_start3A_59 = arith.constant 3 : i32
    %dma_start3A_60 = arith.constant 0 : i32
    %dma_start3A_61 = arith.constant 0 : i32
    %dma_start3A_62 = tpu.memref_slice %arg7[%dma_start3A_58, %dma_start3A_60, %dma_start3A_61] : memref<8x32x256xf32, #tpu.memory_space<vmem>> -> memref<1x32x256xf32, #tpu.memory_space<vmem>>
    %dma_start3A_63 = tpu.memref_squeeze %dma_start3A_62 : memref<1x32x256xf32, #tpu.memory_space<vmem>> -> memref<32x256xf32, #tpu.memory_space<vmem>>
    %dma_start3A_64 = arith.constant 0 : i32
    %dma_start3A_65 = tpu.memref_slice %arg2[%add3A_57, %dma_start3A_64] : memref<262144x256xf32, #tpu.memory_space<hbm>> -> memref<32x256xf32, #tpu.memory_space<hbm>>
    %dma_start3A_66 = tpu.memref_slice %arg13[%dma_start3A_59] : memref<8x!tpu.dma_semaphore, #tpu.memory_space<semaphore_mem>> -> memref<1x!tpu.dma_semaphore, #tpu.memory_space<semaphore_mem>>
    %dma_start3A_67 = tpu.memref_squeeze %dma_start3A_66 : memref<1x!tpu.dma_semaphore, #tpu.memory_space<semaphore_mem>> -> memref<!tpu.dma_semaphore, #tpu.memory_space<semaphore_mem>>
    %dma_start3A_68 = arith.constant 0 : i32
    %dma_start3A_69 = arith.constant 0 : i32
    %dma_start3A_70 = tpu.memref_slice %arg7[%dma_start3A_58, %dma_start3A_68, %dma_start3A_69] : memref<8x32x256xf32, #tpu.memory_space<vmem>> -> memref<1x32x256xf32, #tpu.memory_space<vmem>>
    %dma_start3A_71 = tpu.memref_squeeze %dma_start3A_70 : memref<1x32x256xf32, #tpu.memory_space<vmem>> -> memref<32x256xf32, #tpu.memory_space<vmem>>
    %dma_start3A_72 = arith.constant 0 : i32
    %dma_start3A_73 = tpu.memref_slice %arg2[%add3A_57, %dma_start3A_72] : memref<262144x256xf32, #tpu.memory_space<hbm>> -> memref<32x256xf32, #tpu.memory_space<hbm>>
    tpu.enqueue_dma source(%dma_start3A_73 : memref<32x256xf32, #tpu.memory_space<hbm>>) target(%dma_start3A_71 : memref<32x256xf32, #tpu.memory_space<vmem>>) target_semaphore(%dma_start3A_67 : memref<!tpu.dma_semaphore, #tpu.memory_space<semaphore_mem>>)
    %add3A_74 = arith.constant 128 : i32
    %add3A_75 = arith.addi %mul3A_2, %add3A_74 : i32
    %dma_start3A_76 = arith.constant 4 : i32
    %dma_start3A_77 = arith.constant 4 : i32
    %dma_start3A_78 = arith.constant 0 : i32
    %dma_start3A_79 = arith.constant 0 : i32
    %dma_start3A_80 = tpu.memref_slice %arg7[%dma_start3A_76, %dma_start3A_78, %dma_start3A_79] : memref<8x32x256xf32, #tpu.memory_space<vmem>> -> memref<1x32x256xf32, #tpu.memory_space<vmem>>
    %dma_start3A_81 = tpu.memref_squeeze %dma_start3A_80 : memref<1x32x256xf32, #tpu.memory_space<vmem>> -> memref<32x256xf32, #tpu.memory_space<vmem>>
    %dma_start3A_82 = arith.constant 0 : i32
    %dma_start3A_83 = tpu.memref_slice %arg2[%add3A_75, %dma_start3A_82] : memref<262144x256xf32, #tpu.memory_space<hbm>> -> memref<32x256xf32, #tpu.memory_space<hbm>>
    %dma_start3A_84 = tpu.memref_slice %arg13[%dma_start3A_77] : memref<8x!tpu.dma_semaphore, #tpu.memory_space<semaphore_mem>> -> memref<1x!tpu.dma_semaphore, #tpu.memory_space<semaphore_mem>>
    %dma_start3A_85 = tpu.memref_squeeze %dma_start3A_84 : memref<1x!tpu.dma_semaphore, #tpu.memory_space<semaphore_mem>> -> memref<!tpu.dma_semaphore, #tpu.memory_space<semaphore_mem>>
    %dma_start3A_86 = arith.constant 0 : i32
    %dma_start3A_87 = arith.constant 0 : i32
    %dma_start3A_88 = tpu.memref_slice %arg7[%dma_start3A_76, %dma_start3A_86, %dma_start3A_87] : memref<8x32x256xf32, #tpu.memory_space<vmem>> -> memref<1x32x256xf32, #tpu.memory_space<vmem>>
    %dma_start3A_89 = tpu.memref_squeeze %dma_start3A_88 : memref<1x32x256xf32, #tpu.memory_space<vmem>> -> memref<32x256xf32, #tpu.memory_space<vmem>>
    %dma_start3A_90 = arith.constant 0 : i32
    %dma_start3A_91 = tpu.memref_slice %arg2[%add3A_75, %dma_start3A_90] : memref<262144x256xf32, #tpu.memory_space<hbm>> -> memref<32x256xf32, #tpu.memory_space<hbm>>
    tpu.enqueue_dma source(%dma_start3A_91 : memref<32x256xf32, #tpu.memory_space<hbm>>) target(%dma_start3A_89 : memref<32x256xf32, #tpu.memory_space<vmem>>) target_semaphore(%dma_start3A_85 : memref<!tpu.dma_semaphore, #tpu.memory_space<semaphore_mem>>)
    %add3A_92 = arith.constant 160 : i32
    %add3A_93 = arith.addi %mul3A_2, %add3A_92 : i32
    %dma_start3A_94 = arith.constant 5 : i32
    %dma_start3A_95 = arith.constant 5 : i32
    %dma_start3A_96 = arith.constant 0 : i32
    %dma_start3A_97 = arith.constant 0 : i32
    %dma_start3A_98 = tpu.memref_slice %arg7[%dma_start3A_94, %dma_start3A_96, %dma_start3A_97] : memref<8x32x256xf32, #tpu.memory_space<vmem>> -> memref<1x32x256xf32, #tpu.memory_space<vmem>>
    %dma_start3A_99 = tpu.memref_squeeze %dma_start3A_98 : memref<1x32x256xf32, #tpu.memory_space<vmem>> -> memref<32x256xf32, #tpu.memory_space<vmem>>
    %dma_start3A_100 = arith.constant 0 : i32
    %dma_start3A_101 = tpu.memref_slice %arg2[%add3A_93, %dma_start3A_100] : memref<262144x256xf32, #tpu.memory_space<hbm>> -> memref<32x256xf32, #tpu.memory_space<hbm>>
    %dma_start3A_102 = tpu.memref_slice %arg13[%dma_start3A_95] : memref<8x!tpu.dma_semaphore, #tpu.memory_space<semaphore_mem>> -> memref<1x!tpu.dma_semaphore, #tpu.memory_space<semaphore_mem>>
    %dma_start3A_103 = tpu.memref_squeeze %dma_start3A_102 : memref<1x!tpu.dma_semaphore, #tpu.memory_space<semaphore_mem>> -> memref<!tpu.dma_semaphore, #tpu.memory_space<semaphore_mem>>
    %dma_start3A_104 = arith.constant 0 : i32
    %dma_start3A_105 = arith.constant 0 : i32
    %dma_start3A_106 = tpu.memref_slice %arg7[%dma_start3A_94, %dma_start3A_104, %dma_start3A_105] : memref<8x32x256xf32, #tpu.memory_space<vmem>> -> memref<1x32x256xf32, #tpu.memory_space<vmem>>
    %dma_start3A_107 = tpu.memref_squeeze %dma_start3A_106 : memref<1x32x256xf32, #tpu.memory_space<vmem>> -> memref<32x256xf32, #tpu.memory_space<vmem>>
    %dma_start3A_108 = arith.constant 0 : i32
    %dma_start3A_109 = tpu.memref_slice %arg2[%add3A_93, %dma_start3A_108] : memref<262144x256xf32, #tpu.memory_space<hbm>> -> memref<32x256xf32, #tpu.memory_space<hbm>>
    tpu.enqueue_dma source(%dma_start3A_109 : memref<32x256xf32, #tpu.memory_space<hbm>>) target(%dma_start3A_107 : memref<32x256xf32, #tpu.memory_space<vmem>>) target_semaphore(%dma_start3A_103 : memref<!tpu.dma_semaphore, #tpu.memory_space<semaphore_mem>>)
    %add3A_110 = arith.constant 192 : i32
    %add3A_111 = arith.addi %mul3A_2, %add3A_110 : i32
    %dma_start3A_112 = arith.constant 6 : i32
    %dma_start3A_113 = arith.constant 6 : i32
    %dma_start3A_114 = arith.constant 0 : i32
    %dma_start3A_115 = arith.constant 0 : i32
    %dma_start3A_116 = tpu.memref_slice %arg7[%dma_start3A_112, %dma_start3A_114, %dma_start3A_115] : memref<8x32x256xf32, #tpu.memory_space<vmem>> -> memref<1x32x256xf32, #tpu.memory_space<vmem>>
    %dma_start3A_117 = tpu.memref_squeeze %dma_start3A_116 : memref<1x32x256xf32, #tpu.memory_space<vmem>> -> memref<32x256xf32, #tpu.memory_space<vmem>>
    %dma_start3A_118 = arith.constant 0 : i32
    %dma_start3A_119 = tpu.memref_slice %arg2[%add3A_111, %dma_start3A_118] : memref<262144x256xf32, #tpu.memory_space<hbm>> -> memref<32x256xf32, #tpu.memory_space<hbm>>
    %dma_start3A_120 = tpu.memref_slice %arg13[%dma_start3A_113] : memref<8x!tpu.dma_semaphore, #tpu.memory_space<semaphore_mem>> -> memref<1x!tpu.dma_semaphore, #tpu.memory_space<semaphore_mem>>
    %dma_start3A_121 = tpu.memref_squeeze %dma_start3A_120 : memref<1x!tpu.dma_semaphore, #tpu.memory_space<semaphore_mem>> -> memref<!tpu.dma_semaphore, #tpu.memory_space<semaphore_mem>>
    %dma_start3A_122 = arith.constant 0 : i32
    %dma_start3A_123 = arith.constant 0 : i32
    %dma_start3A_124 = tpu.memref_slice %arg7[%dma_start3A_112, %dma_start3A_122, %dma_start3A_123] : memref<8x32x256xf32, #tpu.memory_space<vmem>> -> memref<1x32x256xf32, #tpu.memory_space<vmem>>
    %dma_start3A_125 = tpu.memref_squeeze %dma_start3A_124 : memref<1x32x256xf32, #tpu.memory_space<vmem>> -> memref<32x256xf32, #tpu.memory_space<vmem>>
    %dma_start3A_126 = arith.constant 0 : i32
    %dma_start3A_127 = tpu.memref_slice %arg2[%add3A_111, %dma_start3A_126] : memref<262144x256xf32, #tpu.memory_space<hbm>> -> memref<32x256xf32, #tpu.memory_space<hbm>>
    tpu.enqueue_dma source(%dma_start3A_127 : memref<32x256xf32, #tpu.memory_space<hbm>>) target(%dma_start3A_125 : memref<32x256xf32, #tpu.memory_space<vmem>>) target_semaphore(%dma_start3A_121 : memref<!tpu.dma_semaphore, #tpu.memory_space<semaphore_mem>>)
    %add3A_128 = arith.constant 224 : i32
    %add3A_129 = arith.addi %mul3A_2, %add3A_128 : i32
    %dma_start3A_130 = arith.constant 7 : i32
    %dma_start3A_131 = arith.constant 7 : i32
    %dma_start3A_132 = arith.constant 0 : i32
    %dma_start3A_133 = arith.constant 0 : i32
    %dma_start3A_134 = tpu.memref_slice %arg7[%dma_start3A_130, %dma_start3A_132, %dma_start3A_133] : memref<8x32x256xf32, #tpu.memory_space<vmem>> -> memref<1x32x256xf32, #tpu.memory_space<vmem>>
    %dma_start3A_135 = tpu.memref_squeeze %dma_start3A_134 : memref<1x32x256xf32, #tpu.memory_space<vmem>> -> memref<32x256xf32, #tpu.memory_space<vmem>>
    %dma_start3A_136 = arith.constant 0 : i32
    %dma_start3A_137 = tpu.memref_slice %arg2[%add3A_129, %dma_start3A_136] : memref<262144x256xf32, #tpu.memory_space<hbm>> -> memref<32x256xf32, #tpu.memory_space<hbm>>
    %dma_start3A_138 = tpu.memref_slice %arg13[%dma_start3A_131] : memref<8x!tpu.dma_semaphore, #tpu.memory_space<semaphore_mem>> -> memref<1x!tpu.dma_semaphore, #tpu.memory_space<semaphore_mem>>
    %dma_start3A_139 = tpu.memref_squeeze %dma_start3A_138 : memref<1x!tpu.dma_semaphore, #tpu.memory_space<semaphore_mem>> -> memref<!tpu.dma_semaphore, #tpu.memory_space<semaphore_mem>>
    %dma_start3A_140 = arith.constant 0 : i32
    %dma_start3A_141 = arith.constant 0 : i32
    %dma_start3A_142 = tpu.memref_slice %arg7[%dma_start3A_130, %dma_start3A_140, %dma_start3A_141] : memref<8x32x256xf32, #tpu.memory_space<vmem>> -> memref<1x32x256xf32, #tpu.memory_space<vmem>>
    %dma_start3A_143 = tpu.memref_squeeze %dma_start3A_142 : memref<1x32x256xf32, #tpu.memory_space<vmem>> -> memref<32x256xf32, #tpu.memory_space<vmem>>
    %dma_start3A_144 = arith.constant 0 : i32
    %dma_start3A_145 = tpu.memref_slice %arg2[%add3A_129, %dma_start3A_144] : memref<262144x256xf32, #tpu.memory_space<hbm>> -> memref<32x256xf32, #tpu.memory_space<hbm>>
    tpu.enqueue_dma source(%dma_start3A_145 : memref<32x256xf32, #tpu.memory_space<hbm>>) target(%dma_start3A_143 : memref<32x256xf32, #tpu.memory_space<vmem>>) target_semaphore(%dma_start3A_139 : memref<!tpu.dma_semaphore, #tpu.memory_space<semaphore_mem>>)
    %broadcast_in_dim3A = arith.constant 0.000000e+00 : f32
    %broadcast_in_dim3A_146 = vector.broadcast %broadcast_in_dim3A : f32 to vector<16xf32>
    %scan3A = arith.constant 0 : i32
    %scan3A_147 = arith.constant 32 : i32
    %scan3A_148 = arith.addi %scan3A, %scan3A_147 : i32
    %scan3A_149 = arith.constant 1 : i32
    %scan3A_150:2 = scf.for %scan3A_161 = %scan3A to %scan3A_148 step %scan3A_149 iter_args(%scan3A_162 = %broadcast_in_dim3A_146, %scan3A_163 = %broadcast_in_dim3A_146) -> (vector<16xf32>, vector<16xf32>)  : i32 {
      %mul3A_164 = arith.constant 8 : i32
      %mul3A_165 = arith.muli %scan3A_161, %mul3A_164 : i32
      %add3A_166 = arith.constant 0 : i32
      %add3A_167 = arith.addi %mul3A_165, %add3A_166 : i32
      %mul3A_168 = arith.constant 32 : i32
      %mul3A_169 = arith.muli %add3A_167, %mul3A_168 : i32
      %add3A_170 = arith.addi %mul3A_2, %mul3A_169 : i32
      %dma_wait3A = arith.constant 0 : i32
      %dma_wait3A_171 = arith.constant 0 : i32
      %dma_wait3A_172 = arith.constant 0 : i32
      %dma_wait3A_173 = arith.constant 0 : i32
      %dma_wait3A_174 = tpu.memref_slice %arg7[%dma_wait3A, %dma_wait3A_172, %dma_wait3A_173] : memref<8x32x256xf32, #tpu.memory_space<vmem>> -> memref<1x32x256xf32, #tpu.memory_space<vmem>>
      %dma_wait3A_175 = tpu.memref_squeeze %dma_wait3A_174 : memref<1x32x256xf32, #tpu.memory_space<vmem>> -> memref<32x256xf32, #tpu.memory_space<vmem>>
      %dma_wait3A_176 = arith.constant 0 : i32
      %dma_wait3A_177 = tpu.memref_slice %arg2[%add3A_170, %dma_wait3A_176] : memref<262144x256xf32, #tpu.memory_space<hbm>> -> memref<32x256xf32, #tpu.memory_space<hbm>>
      %dma_wait3A_178 = tpu.memref_slice %arg13[%dma_wait3A_171] : memref<8x!tpu.dma_semaphore, #tpu.memory_space<semaphore_mem>> -> memref<1x!tpu.dma_semaphore, #tpu.memory_space<semaphore_mem>>
      %dma_wait3A_179 = tpu.memref_squeeze %dma_wait3A_178 : memref<1x!tpu.dma_semaphore, #tpu.memory_space<semaphore_mem>> -> memref<!tpu.dma_semaphore, #tpu.memory_space<semaphore_mem>>
      %dma_wait3A_180 = arith.constant 0 : i32
      %dma_wait3A_181 = arith.constant 0 : i32
      %dma_wait3A_182 = tpu.memref_slice %arg7[%dma_wait3A, %dma_wait3A_180, %dma_wait3A_181] : memref<8x32x256xf32, #tpu.memory_space<vmem>> -> memref<1x32x256xf32, #tpu.memory_space<vmem>>
      %dma_wait3A_183 = tpu.memref_squeeze %dma_wait3A_182 : memref<1x32x256xf32, #tpu.memory_space<vmem>> -> memref<32x256xf32, #tpu.memory_space<vmem>>
      %dma_wait3A_184 = arith.constant 0 : i32
      %dma_wait3A_185 = tpu.memref_slice %arg2[%add3A_170, %dma_wait3A_184] : memref<262144x256xf32, #tpu.memory_space<hbm>> -> memref<32x256xf32, #tpu.memory_space<hbm>>
      tpu.wait_dma2 semaphore(%dma_wait3A_179 : memref<!tpu.dma_semaphore, #tpu.memory_space<semaphore_mem>>) src(%dma_wait3A_185 : memref<32x256xf32, #tpu.memory_space<hbm>>) dst(%dma_wait3A_183 : memref<32x256xf32, #tpu.memory_space<vmem>>)
      %mul3A_186 = arith.constant 32 : i32
      %mul3A_187 = arith.muli %add3A_167, %mul3A_186 : i32
      %add3A_188 = arith.constant 0 : i32
      %add3A_189 = arith.addi %mul3A_187, %add3A_188 : i32
      %get3A = arith.index_cast %add3A_189 : i32 to index
      %get3A_190 = tpu.vector_load %arg6[%get3A] {strides = array<i32>} : memref<8192xi32, #tpu.memory_space<vmem>>, vector<16xi32>,
      %add3A_191 = arith.constant 0 : i32
      %add3A_192 = vector.broadcast %add3A_191 : i32 to vector<16xi32>
      %add3A_193 = arith.addi %iota3A, %add3A_192 : vector<16xi32>
      %gather3A = arith.constant 0 : i32
      %gather3A_194 = arith.constant 0 : i32
      %gather3A_195 = arith.constant 0 : i32
      %gather3A_196 = tpu.memref_slice %arg7[%gather3A, %gather3A_194, %gather3A_195] : memref<8x32x256xf32, #tpu.memory_space<vmem>> -> memref<1x32x256xf32, #tpu.memory_space<vmem>>
      %gather3A_197 = tpu.memref_squeeze %gather3A_196 : memref<1x32x256xf32, #tpu.memory_space<vmem>> -> memref<32x256xf32, #tpu.memory_space<vmem>>
      %gather3A_198 = tpu.vector_load_idx %gather3A_197[%add3A_193, %get3A_190] : memref<32x256xf32, #tpu.memory_space<vmem>>[vector<16xi32>, vector<16xi32>], vector<16xf32>,
      %ne3A = arith.constant 0 : i32
      %ne3A_199 = vector.broadcast %ne3A : i32 to vector<16xi32>
      %ne3A_200 = arith.cmpi ne, %get3A_190, %ne3A_199 : vector<16xi32>
      %sub3A = arith.constant 1.000000e+00 : f32
      %sub3A_201 = vector.broadcast %sub3A : f32 to vector<16xf32>
      %sub3A_202 = arith.subf %sub3A_201, %gather3A_198 : vector<16xf32>
      %mul3A_203 = arith.mulf %sub3A_202, %sub3A_202 : vector<16xf32>
      %jit3A = arith.constant 0.000000e+00 : f32
      %broadcast_in_dim3A_204 = vector.broadcast %jit3A : f32 to vector<16xf32>
      %select_n3A = arith.select %ne3A_200, %mul3A_203, %broadcast_in_dim3A_204 : vector<16xi1>, vector<16xf32>
      %add3A_205 = arith.addf %scan3A_162, %select_n3A : vector<16xf32>
      %jit3A_206 = arith.constant 1.000000e+00 : f32
      %jit3A_207 = arith.constant 0.000000e+00 : f32
      %broadcast_in_dim3A_208 = vector.broadcast %jit3A_206 : f32 to vector<16xf32>
      %broadcast_in_dim3A_209 = vector.broadcast %jit3A_207 : f32 to vector<16xf32>
      %select_n3A_210 = arith.select %ne3A_200, %broadcast_in_dim3A_208, %broadcast_in_dim3A_209 : vector<16xi1>, vector<16xf32>
      %add3A_211 = arith.addf %scan3A_163, %select_n3A_210 : vector<16xf32>
      %mul3A_212 = arith.constant 32 : i32
      %mul3A_213 = arith.muli %add3A_167, %mul3A_212 : i32
      %add3A_214 = arith.constant 16 : i32
      %add3A_215 = arith.addi %mul3A_213, %add3A_214 : i32
      %get3A_216 = arith.index_cast %add3A_215 : i32 to index
      %get3A_217 = tpu.vector_load %arg6[%get3A_216] {strides = array<i32>} : memref<8192xi32, #tpu.memory_space<vmem>>, vector<16xi32>,
      %add3A_218 = arith.constant 16 : i32
      %add3A_219 = vector.broadcast %add3A_218 : i32 to vector<16xi32>
      %add3A_220 = arith.addi %iota3A, %add3A_219 : vector<16xi32>
      %gather3A_221 = arith.constant 0 : i32
      %gather3A_222 = arith.constant 0 : i32
      %gather3A_223 = arith.constant 0 : i32
      %gather3A_224 = tpu.memref_slice %arg7[%gather3A_221, %gather3A_222, %gather3A_223] : memref<8x32x256xf32, #tpu.memory_space<vmem>> -> memref<1x32x256xf32, #tpu.memory_space<vmem>>
      %gather3A_225 = tpu.memref_squeeze %gather3A_224 : memref<1x32x256xf32, #tpu.memory_space<vmem>> -> memref<32x256xf32, #tpu.memory_space<vmem>>
      %gather3A_226 = tpu.vector_load_idx %gather3A_225[%add3A_220, %get3A_217] : memref<32x256xf32, #tpu.memory_space<vmem>>[vector<16xi32>, vector<16xi32>], vector<16xf32>,
      %ne3A_227 = arith.constant 0 : i32
      %ne3A_228 = vector.broadcast %ne3A_227 : i32 to vector<16xi32>
      %ne3A_229 = arith.cmpi ne, %get3A_217, %ne3A_228 : vector<16xi32>
      %sub3A_230 = arith.constant 1.000000e+00 : f32
      %sub3A_231 = vector.broadcast %sub3A_230 : f32 to vector<16xf32>
      %sub3A_232 = arith.subf %sub3A_231, %gather3A_226 : vector<16xf32>
      %mul3A_233 = arith.mulf %sub3A_232, %sub3A_232 : vector<16xf32>
      %jit3A_234 = arith.constant 0.000000e+00 : f32
      %broadcast_in_dim3A_235 = vector.broadcast %jit3A_234 : f32 to vector<16xf32>
      %select_n3A_236 = arith.select %ne3A_229, %mul3A_233, %broadcast_in_dim3A_235 : vector<16xi1>, vector<16xf32>
      %add3A_237 = arith.addf %add3A_205, %select_n3A_236 : vector<16xf32>
      %jit3A_238 = arith.constant 1.000000e+00 : f32
      %jit3A_239 = arith.constant 0.000000e+00 : f32
      %broadcast_in_dim3A_240 = vector.broadcast %jit3A_238 : f32 to vector<16xf32>
      %broadcast_in_dim3A_241 = vector.broadcast %jit3A_239 : f32 to vector<16xf32>
      %select_n3A_242 = arith.select %ne3A_229, %broadcast_in_dim3A_240, %broadcast_in_dim3A_241 : vector<16xi1>, vector<16xf32>
      %add3A_243 = arith.addf %add3A_211, %select_n3A_242 : vector<16xf32>
      %add3A_244 = arith.constant 8 : i32
      %add3A_245 = arith.addi %add3A_167, %add3A_244 : i32
      %lt3A = arith.constant 256 : i32
      %lt3A_246 = arith.cmpi slt, %add3A_245, %lt3A : i32
      %convert_element_type3A_247 = arith.extui %lt3A_246 : i1 to i32
      %cond3A_248 = arith.constant 0 : i32
      %cond3A_249 = arith.cmpi ne, %convert_element_type3A_247, %cond3A_248 : i32
      scf.if %cond3A_249 {
        %add3A_908 = arith.constant 8 : i32
        %add3A_909 = arith.addi %add3A_167, %add3A_908 : i32
        %mul3A_910 = arith.constant 32 : i32
        %mul3A_911 = arith.muli %add3A_909, %mul3A_910 : i32
        %add3A_912 = arith.addi %mul3A_2, %mul3A_911 : i32
        %dma_start3A_913 = arith.constant 0 : i32
        %dma_start3A_914 = arith.constant 0 : i32
        %dma_start3A_915 = arith.constant 0 : i32
        %dma_start3A_916 = arith.constant 0 : i32
        %dma_start3A_917 = tpu.memref_slice %arg7[%dma_start3A_913, %dma_start3A_915, %dma_start3A_916] : memref<8x32x256xf32, #tpu.memory_space<vmem>> -> memref<1x32x256xf32, #tpu.memory_space<vmem>>
        %dma_start3A_918 = tpu.memref_squeeze %dma_start3A_917 : memref<1x32x256xf32, #tpu.memory_space<vmem>> -> memref<32x256xf32, #tpu.memory_space<vmem>>
        %dma_start3A_919 = arith.constant 0 : i32
        %dma_start3A_920 = tpu.memref_slice %arg2[%add3A_912, %dma_start3A_919] : memref<262144x256xf32, #tpu.memory_space<hbm>> -> memref<32x256xf32, #tpu.memory_space<hbm>>
        %dma_start3A_921 = tpu.memref_slice %arg13[%dma_start3A_914] : memref<8x!tpu.dma_semaphore, #tpu.memory_space<semaphore_mem>> -> memref<1x!tpu.dma_semaphore, #tpu.memory_space<semaphore_mem>>
        %dma_start3A_922 = tpu.memref_squeeze %dma_start3A_921 : memref<1x!tpu.dma_semaphore, #tpu.memory_space<semaphore_mem>> -> memref<!tpu.dma_semaphore, #tpu.memory_space<semaphore_mem>>
        %dma_start3A_923 = arith.constant 0 : i32
        %dma_start3A_924 = arith.constant 0 : i32
        %dma_start3A_925 = tpu.memref_slice %arg7[%dma_start3A_913, %dma_start3A_923, %dma_start3A_924] : memref<8x32x256xf32, #tpu.memory_space<vmem>> -> memref<1x32x256xf32, #tpu.memory_space<vmem>>
        %dma_start3A_926 = tpu.memref_squeeze %dma_start3A_925 : memref<1x32x256xf32, #tpu.memory_space<vmem>> -> memref<32x256xf32, #tpu.memory_space<vmem>>
        %dma_start3A_927 = arith.constant 0 : i32
        %dma_start3A_928 = tpu.memref_slice %arg2[%add3A_912, %dma_start3A_927] : memref<262144x256xf32, #tpu.memory_space<hbm>> -> memref<32x256xf32, #tpu.memory_space<hbm>>
        tpu.enqueue_dma source(%dma_start3A_928 : memref<32x256xf32, #tpu.memory_space<hbm>>) target(%dma_start3A_926 : memref<32x256xf32, #tpu.memory_space<vmem>>) target_semaphore(%dma_start3A_922 : memref<!tpu.dma_semaphore, #tpu.memory_space<semaphore_mem>>)
      } else {
      }
      %mul3A_250 = arith.constant 8 : i32
      %mul3A_251 = arith.muli %scan3A_161, %mul3A_250 : i32
      %add3A_252 = arith.constant 1 : i32
      %add3A_253 = arith.addi %mul3A_251, %add3A_252 : i32
      %mul3A_254 = arith.constant 32 : i32
      %mul3A_255 = arith.muli %add3A_253, %mul3A_254 : i32
      %add3A_256 = arith.addi %mul3A_2, %mul3A_255 : i32
      %dma_wait3A_257 = arith.constant 1 : i32
      %dma_wait3A_258 = arith.constant 1 : i32
      %dma_wait3A_259 = arith.constant 0 : i32
      %dma_wait3A_260 = arith.constant 0 : i32
      %dma_wait3A_261 = tpu.memref_slice %arg7[%dma_wait3A_257, %dma_wait3A_259, %dma_wait3A_260] : memref<8x32x256xf32, #tpu.memory_space<vmem>> -> memref<1x32x256xf32, #tpu.memory_space<vmem>>
      %dma_wait3A_262 = tpu.memref_squeeze %dma_wait3A_261 : memref<1x32x256xf32, #tpu.memory_space<vmem>> -> memref<32x256xf32, #tpu.memory_space<vmem>>
      %dma_wait3A_263 = arith.constant 0 : i32
      %dma_wait3A_264 = tpu.memref_slice %arg2[%add3A_256, %dma_wait3A_263] : memref<262144x256xf32, #tpu.memory_space<hbm>> -> memref<32x256xf32, #tpu.memory_space<hbm>>
      %dma_wait3A_265 = tpu.memref_slice %arg13[%dma_wait3A_258] : memref<8x!tpu.dma_semaphore, #tpu.memory_space<semaphore_mem>> -> memref<1x!tpu.dma_semaphore, #tpu.memory_space<semaphore_mem>>
      %dma_wait3A_266 = tpu.memref_squeeze %dma_wait3A_265 : memref<1x!tpu.dma_semaphore, #tpu.memory_space<semaphore_mem>> -> memref<!tpu.dma_semaphore, #tpu.memory_space<semaphore_mem>>
      %dma_wait3A_267 = arith.constant 0 : i32
      %dma_wait3A_268 = arith.constant 0 : i32
      %dma_wait3A_269 = tpu.memref_slice %arg7[%dma_wait3A_257, %dma_wait3A_267, %dma_wait3A_268] : memref<8x32x256xf32, #tpu.memory_space<vmem>> -> memref<1x32x256xf32, #tpu.memory_space<vmem>>
      %dma_wait3A_270 = tpu.memref_squeeze %dma_wait3A_269 : memref<1x32x256xf32, #tpu.memory_space<vmem>> -> memref<32x256xf32, #tpu.memory_space<vmem>>
      %dma_wait3A_271 = arith.constant 0 : i32
      %dma_wait3A_272 = tpu.memref_slice %arg2[%add3A_256, %dma_wait3A_271] : memref<262144x256xf32, #tpu.memory_space<hbm>> -> memref<32x256xf32, #tpu.memory_space<hbm>>
      tpu.wait_dma2 semaphore(%dma_wait3A_266 : memref<!tpu.dma_semaphore, #tpu.memory_space<semaphore_mem>>) src(%dma_wait3A_272 : memref<32x256xf32, #tpu.memory_space<hbm>>) dst(%dma_wait3A_270 : memref<32x256xf32, #tpu.memory_space<vmem>>)
      %mul3A_273 = arith.constant 32 : i32
      %mul3A_274 = arith.muli %add3A_253, %mul3A_273 : i32
      %add3A_275 = arith.constant 0 : i32
      %add3A_276 = arith.addi %mul3A_274, %add3A_275 : i32
      %get3A_277 = arith.index_cast %add3A_276 : i32 to index
      %get3A_278 = tpu.vector_load %arg6[%get3A_277] {strides = array<i32>} : memref<8192xi32, #tpu.memory_space<vmem>>, vector<16xi32>,
      %add3A_279 = arith.constant 0 : i32
      %add3A_280 = vector.broadcast %add3A_279 : i32 to vector<16xi32>
      %add3A_281 = arith.addi %iota3A, %add3A_280 : vector<16xi32>
      %gather3A_282 = arith.constant 1 : i32
      %gather3A_283 = arith.constant 0 : i32
      %gather3A_284 = arith.constant 0 : i32
      %gather3A_285 = tpu.memref_slice %arg7[%gather3A_282, %gather3A_283, %gather3A_284] : memref<8x32x256xf32, #tpu.memory_space<vmem>> -> memref<1x32x256xf32, #tpu.memory_space<vmem>>
      %gather3A_286 = tpu.memref_squeeze %gather3A_285 : memref<1x32x256xf32, #tpu.memory_space<vmem>> -> memref<32x256xf32, #tpu.memory_space<vmem>>
      %gather3A_287 = tpu.vector_load_idx %gather3A_286[%add3A_281, %get3A_278] : memref<32x256xf32, #tpu.memory_space<vmem>>[vector<16xi32>, vector<16xi32>], vector<16xf32>,
      %ne3A_288 = arith.constant 0 : i32
      %ne3A_289 = vector.broadcast %ne3A_288 : i32 to vector<16xi32>
      %ne3A_290 = arith.cmpi ne, %get3A_278, %ne3A_289 : vector<16xi32>
      %sub3A_291 = arith.constant 1.000000e+00 : f32
      %sub3A_292 = vector.broadcast %sub3A_291 : f32 to vector<16xf32>
      %sub3A_293 = arith.subf %sub3A_292, %gather3A_287 : vector<16xf32>
      %mul3A_294 = arith.mulf %sub3A_293, %sub3A_293 : vector<16xf32>
      %jit3A_295 = arith.constant 0.000000e+00 : f32
      %broadcast_in_dim3A_296 = vector.broadcast %jit3A_295 : f32 to vector<16xf32>
      %select_n3A_297 = arith.select %ne3A_290, %mul3A_294, %broadcast_in_dim3A_296 : vector<16xi1>, vector<16xf32>
      %add3A_298 = arith.addf %add3A_237, %select_n3A_297 : vector<16xf32>
      %jit3A_299 = arith.constant 1.000000e+00 : f32
      %jit3A_300 = arith.constant 0.000000e+00 : f32
      %broadcast_in_dim3A_301 = vector.broadcast %jit3A_299 : f32 to vector<16xf32>
      %broadcast_in_dim3A_302 = vector.broadcast %jit3A_300 : f32 to vector<16xf32>
      %select_n3A_303 = arith.select %ne3A_290, %broadcast_in_dim3A_301, %broadcast_in_dim3A_302 : vector<16xi1>, vector<16xf32>
      %add3A_304 = arith.addf %add3A_243, %select_n3A_303 : vector<16xf32>
      %mul3A_305 = arith.constant 32 : i32
      %mul3A_306 = arith.muli %add3A_253, %mul3A_305 : i32
      %add3A_307 = arith.constant 16 : i32
      %add3A_308 = arith.addi %mul3A_306, %add3A_307 : i32
      %get3A_309 = arith.index_cast %add3A_308 : i32 to index
      %get3A_310 = tpu.vector_load %arg6[%get3A_309] {strides = array<i32>} : memref<8192xi32, #tpu.memory_space<vmem>>, vector<16xi32>,
      %add3A_311 = arith.constant 16 : i32
      %add3A_312 = vector.broadcast %add3A_311 : i32 to vector<16xi32>
      %add3A_313 = arith.addi %iota3A, %add3A_312 : vector<16xi32>
      %gather3A_314 = arith.constant 1 : i32
      %gather3A_315 = arith.constant 0 : i32
      %gather3A_316 = arith.constant 0 : i32
      %gather3A_317 = tpu.memref_slice %arg7[%gather3A_314, %gather3A_315, %gather3A_316] : memref<8x32x256xf32, #tpu.memory_space<vmem>> -> memref<1x32x256xf32, #tpu.memory_space<vmem>>
      %gather3A_318 = tpu.memref_squeeze %gather3A_317 : memref<1x32x256xf32, #tpu.memory_space<vmem>> -> memref<32x256xf32, #tpu.memory_space<vmem>>
      %gather3A_319 = tpu.vector_load_idx %gather3A_318[%add3A_313, %get3A_310] : memref<32x256xf32, #tpu.memory_space<vmem>>[vector<16xi32>, vector<16xi32>], vector<16xf32>,
      %ne3A_320 = arith.constant 0 : i32
      %ne3A_321 = vector.broadcast %ne3A_320 : i32 to vector<16xi32>
      %ne3A_322 = arith.cmpi ne, %get3A_310, %ne3A_321 : vector<16xi32>
      %sub3A_323 = arith.constant 1.000000e+00 : f32
      %sub3A_324 = vector.broadcast %sub3A_323 : f32 to vector<16xf32>
      %sub3A_325 = arith.subf %sub3A_324, %gather3A_319 : vector<16xf32>
      %mul3A_326 = arith.mulf %sub3A_325, %sub3A_325 : vector<16xf32>
      %jit3A_327 = arith.constant 0.000000e+00 : f32
      %broadcast_in_dim3A_328 = vector.broadcast %jit3A_327 : f32 to vector<16xf32>
      %select_n3A_329 = arith.select %ne3A_322, %mul3A_326, %broadcast_in_dim3A_328 : vector<16xi1>, vector<16xf32>
      %add3A_330 = arith.addf %add3A_298, %select_n3A_329 : vector<16xf32>
      %jit3A_331 = arith.constant 1.000000e+00 : f32
      %jit3A_332 = arith.constant 0.000000e+00 : f32
      %broadcast_in_dim3A_333 = vector.broadcast %jit3A_331 : f32 to vector<16xf32>
      %broadcast_in_dim3A_334 = vector.broadcast %jit3A_332 : f32 to vector<16xf32>
      %select_n3A_335 = arith.select %ne3A_322, %broadcast_in_dim3A_333, %broadcast_in_dim3A_334 : vector<16xi1>, vector<16xf32>
      %add3A_336 = arith.addf %add3A_304, %select_n3A_335 : vector<16xf32>
      %add3A_337 = arith.constant 8 : i32
      %add3A_338 = arith.addi %add3A_253, %add3A_337 : i32
      %lt3A_339 = arith.constant 256 : i32
      %lt3A_340 = arith.cmpi slt, %add3A_338, %lt3A_339 : i32
      %convert_element_type3A_341 = arith.extui %lt3A_340 : i1 to i32
      %cond3A_342 = arith.constant 0 : i32
      %cond3A_343 = arith.cmpi ne, %convert_element_type3A_341, %cond3A_342 : i32
      scf.if %cond3A_343 {
        %add3A_908 = arith.constant 8 : i32
        %add3A_909 = arith.addi %add3A_253, %add3A_908 : i32
        %mul3A_910 = arith.constant 32 : i32
        %mul3A_911 = arith.muli %add3A_909, %mul3A_910 : i32
        %add3A_912 = arith.addi %mul3A_2, %mul3A_911 : i32
        %dma_start3A_913 = arith.constant 1 : i32
        %dma_start3A_914 = arith.constant 1 : i32
        %dma_start3A_915 = arith.constant 0 : i32
        %dma_start3A_916 = arith.constant 0 : i32
        %dma_start3A_917 = tpu.memref_slice %arg7[%dma_start3A_913, %dma_start3A_915, %dma_start3A_916] : memref<8x32x256xf32, #tpu.memory_space<vmem>> -> memref<1x32x256xf32, #tpu.memory_space<vmem>>
        %dma_start3A_918 = tpu.memref_squeeze %dma_start3A_917 : memref<1x32x256xf32, #tpu.memory_space<vmem>> -> memref<32x256xf32, #tpu.memory_space<vmem>>
        %dma_start3A_919 = arith.constant 0 : i32
        %dma_start3A_920 = tpu.memref_slice %arg2[%add3A_912, %dma_start3A_919] : memref<262144x256xf32, #tpu.memory_space<hbm>> -> memref<32x256xf32, #tpu.memory_space<hbm>>
        %dma_start3A_921 = tpu.memref_slice %arg13[%dma_start3A_914] : memref<8x!tpu.dma_semaphore, #tpu.memory_space<semaphore_mem>> -> memref<1x!tpu.dma_semaphore, #tpu.memory_space<semaphore_mem>>
        %dma_start3A_922 = tpu.memref_squeeze %dma_start3A_921 : memref<1x!tpu.dma_semaphore, #tpu.memory_space<semaphore_mem>> -> memref<!tpu.dma_semaphore, #tpu.memory_space<semaphore_mem>>
        %dma_start3A_923 = arith.constant 0 : i32
        %dma_start3A_924 = arith.constant 0 : i32
        %dma_start3A_925 = tpu.memref_slice %arg7[%dma_start3A_913, %dma_start3A_923, %dma_start3A_924] : memref<8x32x256xf32, #tpu.memory_space<vmem>> -> memref<1x32x256xf32, #tpu.memory_space<vmem>>
        %dma_start3A_926 = tpu.memref_squeeze %dma_start3A_925 : memref<1x32x256xf32, #tpu.memory_space<vmem>> -> memref<32x256xf32, #tpu.memory_space<vmem>>
        %dma_start3A_927 = arith.constant 0 : i32
        %dma_start3A_928 = tpu.memref_slice %arg2[%add3A_912, %dma_start3A_927] : memref<262144x256xf32, #tpu.memory_space<hbm>> -> memref<32x256xf32, #tpu.memory_space<hbm>>
        tpu.enqueue_dma source(%dma_start3A_928 : memref<32x256xf32, #tpu.memory_space<hbm>>) target(%dma_start3A_926 : memref<32x256xf32, #tpu.memory_space<vmem>>) target_semaphore(%dma_start3A_922 : memref<!tpu.dma_semaphore, #tpu.memory_space<semaphore_mem>>)
      } else {
      }
      %mul3A_344 = arith.constant 8 : i32
      %mul3A_345 = arith.muli %scan3A_161, %mul3A_344 : i32
      %add3A_346 = arith.constant 2 : i32
      %add3A_347 = arith.addi %mul3A_345, %add3A_346 : i32
      %mul3A_348 = arith.constant 32 : i32
      %mul3A_349 = arith.muli %add3A_347, %mul3A_348 : i32
      %add3A_350 = arith.addi %mul3A_2, %mul3A_349 : i32
      %dma_wait3A_351 = arith.constant 2 : i32
      %dma_wait3A_352 = arith.constant 2 : i32
      %dma_wait3A_353 = arith.constant 0 : i32
      %dma_wait3A_354 = arith.constant 0 : i32
      %dma_wait3A_355 = tpu.memref_slice %arg7[%dma_wait3A_351, %dma_wait3A_353, %dma_wait3A_354] : memref<8x32x256xf32, #tpu.memory_space<vmem>> -> memref<1x32x256xf32, #tpu.memory_space<vmem>>
      %dma_wait3A_356 = tpu.memref_squeeze %dma_wait3A_355 : memref<1x32x256xf32, #tpu.memory_space<vmem>> -> memref<32x256xf32, #tpu.memory_space<vmem>>
      %dma_wait3A_357 = arith.constant 0 : i32
      %dma_wait3A_358 = tpu.memref_slice %arg2[%add3A_350, %dma_wait3A_357] : memref<262144x256xf32, #tpu.memory_space<hbm>> -> memref<32x256xf32, #tpu.memory_space<hbm>>
      %dma_wait3A_359 = tpu.memref_slice %arg13[%dma_wait3A_352] : memref<8x!tpu.dma_semaphore, #tpu.memory_space<semaphore_mem>> -> memref<1x!tpu.dma_semaphore, #tpu.memory_space<semaphore_mem>>
      %dma_wait3A_360 = tpu.memref_squeeze %dma_wait3A_359 : memref<1x!tpu.dma_semaphore, #tpu.memory_space<semaphore_mem>> -> memref<!tpu.dma_semaphore, #tpu.memory_space<semaphore_mem>>
      %dma_wait3A_361 = arith.constant 0 : i32
      %dma_wait3A_362 = arith.constant 0 : i32
      %dma_wait3A_363 = tpu.memref_slice %arg7[%dma_wait3A_351, %dma_wait3A_361, %dma_wait3A_362] : memref<8x32x256xf32, #tpu.memory_space<vmem>> -> memref<1x32x256xf32, #tpu.memory_space<vmem>>
      %dma_wait3A_364 = tpu.memref_squeeze %dma_wait3A_363 : memref<1x32x256xf32, #tpu.memory_space<vmem>> -> memref<32x256xf32, #tpu.memory_space<vmem>>
      %dma_wait3A_365 = arith.constant 0 : i32
      %dma_wait3A_366 = tpu.memref_slice %arg2[%add3A_350, %dma_wait3A_365] : memref<262144x256xf32, #tpu.memory_space<hbm>> -> memref<32x256xf32, #tpu.memory_space<hbm>>
      tpu.wait_dma2 semaphore(%dma_wait3A_360 : memref<!tpu.dma_semaphore, #tpu.memory_space<semaphore_mem>>) src(%dma_wait3A_366 : memref<32x256xf32, #tpu.memory_space<hbm>>) dst(%dma_wait3A_364 : memref<32x256xf32, #tpu.memory_space<vmem>>)
      %mul3A_367 = arith.constant 32 : i32
      %mul3A_368 = arith.muli %add3A_347, %mul3A_367 : i32
      %add3A_369 = arith.constant 0 : i32
      %add3A_370 = arith.addi %mul3A_368, %add3A_369 : i32
      %get3A_371 = arith.index_cast %add3A_370 : i32 to index
      %get3A_372 = tpu.vector_load %arg6[%get3A_371] {strides = array<i32>} : memref<8192xi32, #tpu.memory_space<vmem>>, vector<16xi32>,
      %add3A_373 = arith.constant 0 : i32
      %add3A_374 = vector.broadcast %add3A_373 : i32 to vector<16xi32>
      %add3A_375 = arith.addi %iota3A, %add3A_374 : vector<16xi32>
      %gather3A_376 = arith.constant 2 : i32
      %gather3A_377 = arith.constant 0 : i32
      %gather3A_378 = arith.constant 0 : i32
      %gather3A_379 = tpu.memref_slice %arg7[%gather3A_376, %gather3A_377, %gather3A_378] : memref<8x32x256xf32, #tpu.memory_space<vmem>> -> memref<1x32x256xf32, #tpu.memory_space<vmem>>
      %gather3A_380 = tpu.memref_squeeze %gather3A_379 : memref<1x32x256xf32, #tpu.memory_space<vmem>> -> memref<32x256xf32, #tpu.memory_space<vmem>>
      %gather3A_381 = tpu.vector_load_idx %gather3A_380[%add3A_375, %get3A_372] : memref<32x256xf32, #tpu.memory_space<vmem>>[vector<16xi32>, vector<16xi32>], vector<16xf32>,
      %ne3A_382 = arith.constant 0 : i32
      %ne3A_383 = vector.broadcast %ne3A_382 : i32 to vector<16xi32>
      %ne3A_384 = arith.cmpi ne, %get3A_372, %ne3A_383 : vector<16xi32>
      %sub3A_385 = arith.constant 1.000000e+00 : f32
      %sub3A_386 = vector.broadcast %sub3A_385 : f32 to vector<16xf32>
      %sub3A_387 = arith.subf %sub3A_386, %gather3A_381 : vector<16xf32>
      %mul3A_388 = arith.mulf %sub3A_387, %sub3A_387 : vector<16xf32>
      %jit3A_389 = arith.constant 0.000000e+00 : f32
      %broadcast_in_dim3A_390 = vector.broadcast %jit3A_389 : f32 to vector<16xf32>
      %select_n3A_391 = arith.select %ne3A_384, %mul3A_388, %broadcast_in_dim3A_390 : vector<16xi1>, vector<16xf32>
      %add3A_392 = arith.addf %add3A_330, %select_n3A_391 : vector<16xf32>
      %jit3A_393 = arith.constant 1.000000e+00 : f32
      %jit3A_394 = arith.constant 0.000000e+00 : f32
      %broadcast_in_dim3A_395 = vector.broadcast %jit3A_393 : f32 to vector<16xf32>
      %broadcast_in_dim3A_396 = vector.broadcast %jit3A_394 : f32 to vector<16xf32>
      %select_n3A_397 = arith.select %ne3A_384, %broadcast_in_dim3A_395, %broadcast_in_dim3A_396 : vector<16xi1>, vector<16xf32>
      %add3A_398 = arith.addf %add3A_336, %select_n3A_397 : vector<16xf32>
      %mul3A_399 = arith.constant 32 : i32
      %mul3A_400 = arith.muli %add3A_347, %mul3A_399 : i32
      %add3A_401 = arith.constant 16 : i32
      %add3A_402 = arith.addi %mul3A_400, %add3A_401 : i32
      %get3A_403 = arith.index_cast %add3A_402 : i32 to index
      %get3A_404 = tpu.vector_load %arg6[%get3A_403] {strides = array<i32>} : memref<8192xi32, #tpu.memory_space<vmem>>, vector<16xi32>,
      %add3A_405 = arith.constant 16 : i32
      %add3A_406 = vector.broadcast %add3A_405 : i32 to vector<16xi32>
      %add3A_407 = arith.addi %iota3A, %add3A_406 : vector<16xi32>
      %gather3A_408 = arith.constant 2 : i32
      %gather3A_409 = arith.constant 0 : i32
      %gather3A_410 = arith.constant 0 : i32
      %gather3A_411 = tpu.memref_slice %arg7[%gather3A_408, %gather3A_409, %gather3A_410] : memref<8x32x256xf32, #tpu.memory_space<vmem>> -> memref<1x32x256xf32, #tpu.memory_space<vmem>>
      %gather3A_412 = tpu.memref_squeeze %gather3A_411 : memref<1x32x256xf32, #tpu.memory_space<vmem>> -> memref<32x256xf32, #tpu.memory_space<vmem>>
      %gather3A_413 = tpu.vector_load_idx %gather3A_412[%add3A_407, %get3A_404] : memref<32x256xf32, #tpu.memory_space<vmem>>[vector<16xi32>, vector<16xi32>], vector<16xf32>,
      %ne3A_414 = arith.constant 0 : i32
      %ne3A_415 = vector.broadcast %ne3A_414 : i32 to vector<16xi32>
      %ne3A_416 = arith.cmpi ne, %get3A_404, %ne3A_415 : vector<16xi32>
      %sub3A_417 = arith.constant 1.000000e+00 : f32
      %sub3A_418 = vector.broadcast %sub3A_417 : f32 to vector<16xf32>
      %sub3A_419 = arith.subf %sub3A_418, %gather3A_413 : vector<16xf32>
      %mul3A_420 = arith.mulf %sub3A_419, %sub3A_419 : vector<16xf32>
      %jit3A_421 = arith.constant 0.000000e+00 : f32
      %broadcast_in_dim3A_422 = vector.broadcast %jit3A_421 : f32 to vector<16xf32>
      %select_n3A_423 = arith.select %ne3A_416, %mul3A_420, %broadcast_in_dim3A_422 : vector<16xi1>, vector<16xf32>
      %add3A_424 = arith.addf %add3A_392, %select_n3A_423 : vector<16xf32>
      %jit3A_425 = arith.constant 1.000000e+00 : f32
      %jit3A_426 = arith.constant 0.000000e+00 : f32
      %broadcast_in_dim3A_427 = vector.broadcast %jit3A_425 : f32 to vector<16xf32>
      %broadcast_in_dim3A_428 = vector.broadcast %jit3A_426 : f32 to vector<16xf32>
      %select_n3A_429 = arith.select %ne3A_416, %broadcast_in_dim3A_427, %broadcast_in_dim3A_428 : vector<16xi1>, vector<16xf32>
      %add3A_430 = arith.addf %add3A_398, %select_n3A_429 : vector<16xf32>
      %add3A_431 = arith.constant 8 : i32
      %add3A_432 = arith.addi %add3A_347, %add3A_431 : i32
      %lt3A_433 = arith.constant 256 : i32
      %lt3A_434 = arith.cmpi slt, %add3A_432, %lt3A_433 : i32
      %convert_element_type3A_435 = arith.extui %lt3A_434 : i1 to i32
      %cond3A_436 = arith.constant 0 : i32
      %cond3A_437 = arith.cmpi ne, %convert_element_type3A_435, %cond3A_436 : i32
      scf.if %cond3A_437 {
        %add3A_908 = arith.constant 8 : i32
        %add3A_909 = arith.addi %add3A_347, %add3A_908 : i32
        %mul3A_910 = arith.constant 32 : i32
        %mul3A_911 = arith.muli %add3A_909, %mul3A_910 : i32
        %add3A_912 = arith.addi %mul3A_2, %mul3A_911 : i32
        %dma_start3A_913 = arith.constant 2 : i32
        %dma_start3A_914 = arith.constant 2 : i32
        %dma_start3A_915 = arith.constant 0 : i32
        %dma_start3A_916 = arith.constant 0 : i32
        %dma_start3A_917 = tpu.memref_slice %arg7[%dma_start3A_913, %dma_start3A_915, %dma_start3A_916] : memref<8x32x256xf32, #tpu.memory_space<vmem>> -> memref<1x32x256xf32, #tpu.memory_space<vmem>>
        %dma_start3A_918 = tpu.memref_squeeze %dma_start3A_917 : memref<1x32x256xf32, #tpu.memory_space<vmem>> -> memref<32x256xf32, #tpu.memory_space<vmem>>
        %dma_start3A_919 = arith.constant 0 : i32
        %dma_start3A_920 = tpu.memref_slice %arg2[%add3A_912, %dma_start3A_919] : memref<262144x256xf32, #tpu.memory_space<hbm>> -> memref<32x256xf32, #tpu.memory_space<hbm>>
        %dma_start3A_921 = tpu.memref_slice %arg13[%dma_start3A_914] : memref<8x!tpu.dma_semaphore, #tpu.memory_space<semaphore_mem>> -> memref<1x!tpu.dma_semaphore, #tpu.memory_space<semaphore_mem>>
        %dma_start3A_922 = tpu.memref_squeeze %dma_start3A_921 : memref<1x!tpu.dma_semaphore, #tpu.memory_space<semaphore_mem>> -> memref<!tpu.dma_semaphore, #tpu.memory_space<semaphore_mem>>
        %dma_start3A_923 = arith.constant 0 : i32
        %dma_start3A_924 = arith.constant 0 : i32
        %dma_start3A_925 = tpu.memref_slice %arg7[%dma_start3A_913, %dma_start3A_923, %dma_start3A_924] : memref<8x32x256xf32, #tpu.memory_space<vmem>> -> memref<1x32x256xf32, #tpu.memory_space<vmem>>
        %dma_start3A_926 = tpu.memref_squeeze %dma_start3A_925 : memref<1x32x256xf32, #tpu.memory_space<vmem>> -> memref<32x256xf32, #tpu.memory_space<vmem>>
        %dma_start3A_927 = arith.constant 0 : i32
        %dma_start3A_928 = tpu.memref_slice %arg2[%add3A_912, %dma_start3A_927] : memref<262144x256xf32, #tpu.memory_space<hbm>> -> memref<32x256xf32, #tpu.memory_space<hbm>>
        tpu.enqueue_dma source(%dma_start3A_928 : memref<32x256xf32, #tpu.memory_space<hbm>>) target(%dma_start3A_926 : memref<32x256xf32, #tpu.memory_space<vmem>>) target_semaphore(%dma_start3A_922 : memref<!tpu.dma_semaphore, #tpu.memory_space<semaphore_mem>>)
      } else {
      }
      %mul3A_438 = arith.constant 8 : i32
      %mul3A_439 = arith.muli %scan3A_161, %mul3A_438 : i32
      %add3A_440 = arith.constant 3 : i32
      %add3A_441 = arith.addi %mul3A_439, %add3A_440 : i32
      %mul3A_442 = arith.constant 32 : i32
      %mul3A_443 = arith.muli %add3A_441, %mul3A_442 : i32
      %add3A_444 = arith.addi %mul3A_2, %mul3A_443 : i32
      %dma_wait3A_445 = arith.constant 3 : i32
      %dma_wait3A_446 = arith.constant 3 : i32
      %dma_wait3A_447 = arith.constant 0 : i32
      %dma_wait3A_448 = arith.constant 0 : i32
      %dma_wait3A_449 = tpu.memref_slice %arg7[%dma_wait3A_445, %dma_wait3A_447, %dma_wait3A_448] : memref<8x32x256xf32, #tpu.memory_space<vmem>> -> memref<1x32x256xf32, #tpu.memory_space<vmem>>
      %dma_wait3A_450 = tpu.memref_squeeze %dma_wait3A_449 : memref<1x32x256xf32, #tpu.memory_space<vmem>> -> memref<32x256xf32, #tpu.memory_space<vmem>>
      %dma_wait3A_451 = arith.constant 0 : i32
      %dma_wait3A_452 = tpu.memref_slice %arg2[%add3A_444, %dma_wait3A_451] : memref<262144x256xf32, #tpu.memory_space<hbm>> -> memref<32x256xf32, #tpu.memory_space<hbm>>
      %dma_wait3A_453 = tpu.memref_slice %arg13[%dma_wait3A_446] : memref<8x!tpu.dma_semaphore, #tpu.memory_space<semaphore_mem>> -> memref<1x!tpu.dma_semaphore, #tpu.memory_space<semaphore_mem>>
      %dma_wait3A_454 = tpu.memref_squeeze %dma_wait3A_453 : memref<1x!tpu.dma_semaphore, #tpu.memory_space<semaphore_mem>> -> memref<!tpu.dma_semaphore, #tpu.memory_space<semaphore_mem>>
      %dma_wait3A_455 = arith.constant 0 : i32
      %dma_wait3A_456 = arith.constant 0 : i32
      %dma_wait3A_457 = tpu.memref_slice %arg7[%dma_wait3A_445, %dma_wait3A_455, %dma_wait3A_456] : memref<8x32x256xf32, #tpu.memory_space<vmem>> -> memref<1x32x256xf32, #tpu.memory_space<vmem>>
      %dma_wait3A_458 = tpu.memref_squeeze %dma_wait3A_457 : memref<1x32x256xf32, #tpu.memory_space<vmem>> -> memref<32x256xf32, #tpu.memory_space<vmem>>
      %dma_wait3A_459 = arith.constant 0 : i32
      %dma_wait3A_460 = tpu.memref_slice %arg2[%add3A_444, %dma_wait3A_459] : memref<262144x256xf32, #tpu.memory_space<hbm>> -> memref<32x256xf32, #tpu.memory_space<hbm>>
      tpu.wait_dma2 semaphore(%dma_wait3A_454 : memref<!tpu.dma_semaphore, #tpu.memory_space<semaphore_mem>>) src(%dma_wait3A_460 : memref<32x256xf32, #tpu.memory_space<hbm>>) dst(%dma_wait3A_458 : memref<32x256xf32, #tpu.memory_space<vmem>>)
      %mul3A_461 = arith.constant 32 : i32
      %mul3A_462 = arith.muli %add3A_441, %mul3A_461 : i32
      %add3A_463 = arith.constant 0 : i32
      %add3A_464 = arith.addi %mul3A_462, %add3A_463 : i32
      %get3A_465 = arith.index_cast %add3A_464 : i32 to index
      %get3A_466 = tpu.vector_load %arg6[%get3A_465] {strides = array<i32>} : memref<8192xi32, #tpu.memory_space<vmem>>, vector<16xi32>,
      %add3A_467 = arith.constant 0 : i32
      %add3A_468 = vector.broadcast %add3A_467 : i32 to vector<16xi32>
      %add3A_469 = arith.addi %iota3A, %add3A_468 : vector<16xi32>
      %gather3A_470 = arith.constant 3 : i32
      %gather3A_471 = arith.constant 0 : i32
      %gather3A_472 = arith.constant 0 : i32
      %gather3A_473 = tpu.memref_slice %arg7[%gather3A_470, %gather3A_471, %gather3A_472] : memref<8x32x256xf32, #tpu.memory_space<vmem>> -> memref<1x32x256xf32, #tpu.memory_space<vmem>>
      %gather3A_474 = tpu.memref_squeeze %gather3A_473 : memref<1x32x256xf32, #tpu.memory_space<vmem>> -> memref<32x256xf32, #tpu.memory_space<vmem>>
      %gather3A_475 = tpu.vector_load_idx %gather3A_474[%add3A_469, %get3A_466] : memref<32x256xf32, #tpu.memory_space<vmem>>[vector<16xi32>, vector<16xi32>], vector<16xf32>,
      %ne3A_476 = arith.constant 0 : i32
      %ne3A_477 = vector.broadcast %ne3A_476 : i32 to vector<16xi32>
      %ne3A_478 = arith.cmpi ne, %get3A_466, %ne3A_477 : vector<16xi32>
      %sub3A_479 = arith.constant 1.000000e+00 : f32
      %sub3A_480 = vector.broadcast %sub3A_479 : f32 to vector<16xf32>
      %sub3A_481 = arith.subf %sub3A_480, %gather3A_475 : vector<16xf32>
      %mul3A_482 = arith.mulf %sub3A_481, %sub3A_481 : vector<16xf32>
      %jit3A_483 = arith.constant 0.000000e+00 : f32
      %broadcast_in_dim3A_484 = vector.broadcast %jit3A_483 : f32 to vector<16xf32>
      %select_n3A_485 = arith.select %ne3A_478, %mul3A_482, %broadcast_in_dim3A_484 : vector<16xi1>, vector<16xf32>
      %add3A_486 = arith.addf %add3A_424, %select_n3A_485 : vector<16xf32>
      %jit3A_487 = arith.constant 1.000000e+00 : f32
      %jit3A_488 = arith.constant 0.000000e+00 : f32
      %broadcast_in_dim3A_489 = vector.broadcast %jit3A_487 : f32 to vector<16xf32>
      %broadcast_in_dim3A_490 = vector.broadcast %jit3A_488 : f32 to vector<16xf32>
      %select_n3A_491 = arith.select %ne3A_478, %broadcast_in_dim3A_489, %broadcast_in_dim3A_490 : vector<16xi1>, vector<16xf32>
      %add3A_492 = arith.addf %add3A_430, %select_n3A_491 : vector<16xf32>
      %mul3A_493 = arith.constant 32 : i32
      %mul3A_494 = arith.muli %add3A_441, %mul3A_493 : i32
      %add3A_495 = arith.constant 16 : i32
      %add3A_496 = arith.addi %mul3A_494, %add3A_495 : i32
      %get3A_497 = arith.index_cast %add3A_496 : i32 to index
      %get3A_498 = tpu.vector_load %arg6[%get3A_497] {strides = array<i32>} : memref<8192xi32, #tpu.memory_space<vmem>>, vector<16xi32>,
      %add3A_499 = arith.constant 16 : i32
      %add3A_500 = vector.broadcast %add3A_499 : i32 to vector<16xi32>
      %add3A_501 = arith.addi %iota3A, %add3A_500 : vector<16xi32>
      %gather3A_502 = arith.constant 3 : i32
      %gather3A_503 = arith.constant 0 : i32
      %gather3A_504 = arith.constant 0 : i32
      %gather3A_505 = tpu.memref_slice %arg7[%gather3A_502, %gather3A_503, %gather3A_504] : memref<8x32x256xf32, #tpu.memory_space<vmem>> -> memref<1x32x256xf32, #tpu.memory_space<vmem>>
      %gather3A_506 = tpu.memref_squeeze %gather3A_505 : memref<1x32x256xf32, #tpu.memory_space<vmem>> -> memref<32x256xf32, #tpu.memory_space<vmem>>
      %gather3A_507 = tpu.vector_load_idx %gather3A_506[%add3A_501, %get3A_498] : memref<32x256xf32, #tpu.memory_space<vmem>>[vector<16xi32>, vector<16xi32>], vector<16xf32>,
      %ne3A_508 = arith.constant 0 : i32
      %ne3A_509 = vector.broadcast %ne3A_508 : i32 to vector<16xi32>
      %ne3A_510 = arith.cmpi ne, %get3A_498, %ne3A_509 : vector<16xi32>
      %sub3A_511 = arith.constant 1.000000e+00 : f32
      %sub3A_512 = vector.broadcast %sub3A_511 : f32 to vector<16xf32>
      %sub3A_513 = arith.subf %sub3A_512, %gather3A_507 : vector<16xf32>
      %mul3A_514 = arith.mulf %sub3A_513, %sub3A_513 : vector<16xf32>
      %jit3A_515 = arith.constant 0.000000e+00 : f32
      %broadcast_in_dim3A_516 = vector.broadcast %jit3A_515 : f32 to vector<16xf32>
      %select_n3A_517 = arith.select %ne3A_510, %mul3A_514, %broadcast_in_dim3A_516 : vector<16xi1>, vector<16xf32>
      %add3A_518 = arith.addf %add3A_486, %select_n3A_517 : vector<16xf32>
      %jit3A_519 = arith.constant 1.000000e+00 : f32
      %jit3A_520 = arith.constant 0.000000e+00 : f32
      %broadcast_in_dim3A_521 = vector.broadcast %jit3A_519 : f32 to vector<16xf32>
      %broadcast_in_dim3A_522 = vector.broadcast %jit3A_520 : f32 to vector<16xf32>
      %select_n3A_523 = arith.select %ne3A_510, %broadcast_in_dim3A_521, %broadcast_in_dim3A_522 : vector<16xi1>, vector<16xf32>
      %add3A_524 = arith.addf %add3A_492, %select_n3A_523 : vector<16xf32>
      %add3A_525 = arith.constant 8 : i32
      %add3A_526 = arith.addi %add3A_441, %add3A_525 : i32
      %lt3A_527 = arith.constant 256 : i32
      %lt3A_528 = arith.cmpi slt, %add3A_526, %lt3A_527 : i32
      %convert_element_type3A_529 = arith.extui %lt3A_528 : i1 to i32
      %cond3A_530 = arith.constant 0 : i32
      %cond3A_531 = arith.cmpi ne, %convert_element_type3A_529, %cond3A_530 : i32
      scf.if %cond3A_531 {
        %add3A_908 = arith.constant 8 : i32
        %add3A_909 = arith.addi %add3A_441, %add3A_908 : i32
        %mul3A_910 = arith.constant 32 : i32
        %mul3A_911 = arith.muli %add3A_909, %mul3A_910 : i32
        %add3A_912 = arith.addi %mul3A_2, %mul3A_911 : i32
        %dma_start3A_913 = arith.constant 3 : i32
        %dma_start3A_914 = arith.constant 3 : i32
        %dma_start3A_915 = arith.constant 0 : i32
        %dma_start3A_916 = arith.constant 0 : i32
        %dma_start3A_917 = tpu.memref_slice %arg7[%dma_start3A_913, %dma_start3A_915, %dma_start3A_916] : memref<8x32x256xf32, #tpu.memory_space<vmem>> -> memref<1x32x256xf32, #tpu.memory_space<vmem>>
        %dma_start3A_918 = tpu.memref_squeeze %dma_start3A_917 : memref<1x32x256xf32, #tpu.memory_space<vmem>> -> memref<32x256xf32, #tpu.memory_space<vmem>>
        %dma_start3A_919 = arith.constant 0 : i32
        %dma_start3A_920 = tpu.memref_slice %arg2[%add3A_912, %dma_start3A_919] : memref<262144x256xf32, #tpu.memory_space<hbm>> -> memref<32x256xf32, #tpu.memory_space<hbm>>
        %dma_start3A_921 = tpu.memref_slice %arg13[%dma_start3A_914] : memref<8x!tpu.dma_semaphore, #tpu.memory_space<semaphore_mem>> -> memref<1x!tpu.dma_semaphore, #tpu.memory_space<semaphore_mem>>
        %dma_start3A_922 = tpu.memref_squeeze %dma_start3A_921 : memref<1x!tpu.dma_semaphore, #tpu.memory_space<semaphore_mem>> -> memref<!tpu.dma_semaphore, #tpu.memory_space<semaphore_mem>>
        %dma_start3A_923 = arith.constant 0 : i32
        %dma_start3A_924 = arith.constant 0 : i32
        %dma_start3A_925 = tpu.memref_slice %arg7[%dma_start3A_913, %dma_start3A_923, %dma_start3A_924] : memref<8x32x256xf32, #tpu.memory_space<vmem>> -> memref<1x32x256xf32, #tpu.memory_space<vmem>>
        %dma_start3A_926 = tpu.memref_squeeze %dma_start3A_925 : memref<1x32x256xf32, #tpu.memory_space<vmem>> -> memref<32x256xf32, #tpu.memory_space<vmem>>
        %dma_start3A_927 = arith.constant 0 : i32
        %dma_start3A_928 = tpu.memref_slice %arg2[%add3A_912, %dma_start3A_927] : memref<262144x256xf32, #tpu.memory_space<hbm>> -> memref<32x256xf32, #tpu.memory_space<hbm>>
        tpu.enqueue_dma source(%dma_start3A_928 : memref<32x256xf32, #tpu.memory_space<hbm>>) target(%dma_start3A_926 : memref<32x256xf32, #tpu.memory_space<vmem>>) target_semaphore(%dma_start3A_922 : memref<!tpu.dma_semaphore, #tpu.memory_space<semaphore_mem>>)
      } else {
      }
      %mul3A_532 = arith.constant 8 : i32
      %mul3A_533 = arith.muli %scan3A_161, %mul3A_532 : i32
      %add3A_534 = arith.constant 4 : i32
      %add3A_535 = arith.addi %mul3A_533, %add3A_534 : i32
      %mul3A_536 = arith.constant 32 : i32
      %mul3A_537 = arith.muli %add3A_535, %mul3A_536 : i32
      %add3A_538 = arith.addi %mul3A_2, %mul3A_537 : i32
      %dma_wait3A_539 = arith.constant 4 : i32
      %dma_wait3A_540 = arith.constant 4 : i32
      %dma_wait3A_541 = arith.constant 0 : i32
      %dma_wait3A_542 = arith.constant 0 : i32
      %dma_wait3A_543 = tpu.memref_slice %arg7[%dma_wait3A_539, %dma_wait3A_541, %dma_wait3A_542] : memref<8x32x256xf32, #tpu.memory_space<vmem>> -> memref<1x32x256xf32, #tpu.memory_space<vmem>>
      %dma_wait3A_544 = tpu.memref_squeeze %dma_wait3A_543 : memref<1x32x256xf32, #tpu.memory_space<vmem>> -> memref<32x256xf32, #tpu.memory_space<vmem>>
      %dma_wait3A_545 = arith.constant 0 : i32
      %dma_wait3A_546 = tpu.memref_slice %arg2[%add3A_538, %dma_wait3A_545] : memref<262144x256xf32, #tpu.memory_space<hbm>> -> memref<32x256xf32, #tpu.memory_space<hbm>>
      %dma_wait3A_547 = tpu.memref_slice %arg13[%dma_wait3A_540] : memref<8x!tpu.dma_semaphore, #tpu.memory_space<semaphore_mem>> -> memref<1x!tpu.dma_semaphore, #tpu.memory_space<semaphore_mem>>
      %dma_wait3A_548 = tpu.memref_squeeze %dma_wait3A_547 : memref<1x!tpu.dma_semaphore, #tpu.memory_space<semaphore_mem>> -> memref<!tpu.dma_semaphore, #tpu.memory_space<semaphore_mem>>
      %dma_wait3A_549 = arith.constant 0 : i32
      %dma_wait3A_550 = arith.constant 0 : i32
      %dma_wait3A_551 = tpu.memref_slice %arg7[%dma_wait3A_539, %dma_wait3A_549, %dma_wait3A_550] : memref<8x32x256xf32, #tpu.memory_space<vmem>> -> memref<1x32x256xf32, #tpu.memory_space<vmem>>
      %dma_wait3A_552 = tpu.memref_squeeze %dma_wait3A_551 : memref<1x32x256xf32, #tpu.memory_space<vmem>> -> memref<32x256xf32, #tpu.memory_space<vmem>>
      %dma_wait3A_553 = arith.constant 0 : i32
      %dma_wait3A_554 = tpu.memref_slice %arg2[%add3A_538, %dma_wait3A_553] : memref<262144x256xf32, #tpu.memory_space<hbm>> -> memref<32x256xf32, #tpu.memory_space<hbm>>
      tpu.wait_dma2 semaphore(%dma_wait3A_548 : memref<!tpu.dma_semaphore, #tpu.memory_space<semaphore_mem>>) src(%dma_wait3A_554 : memref<32x256xf32, #tpu.memory_space<hbm>>) dst(%dma_wait3A_552 : memref<32x256xf32, #tpu.memory_space<vmem>>)
      %mul3A_555 = arith.constant 32 : i32
      %mul3A_556 = arith.muli %add3A_535, %mul3A_555 : i32
      %add3A_557 = arith.constant 0 : i32
      %add3A_558 = arith.addi %mul3A_556, %add3A_557 : i32
      %get3A_559 = arith.index_cast %add3A_558 : i32 to index
      %get3A_560 = tpu.vector_load %arg6[%get3A_559] {strides = array<i32>} : memref<8192xi32, #tpu.memory_space<vmem>>, vector<16xi32>,
      %add3A_561 = arith.constant 0 : i32
      %add3A_562 = vector.broadcast %add3A_561 : i32 to vector<16xi32>
      %add3A_563 = arith.addi %iota3A, %add3A_562 : vector<16xi32>
      %gather3A_564 = arith.constant 4 : i32
      %gather3A_565 = arith.constant 0 : i32
      %gather3A_566 = arith.constant 0 : i32
      %gather3A_567 = tpu.memref_slice %arg7[%gather3A_564, %gather3A_565, %gather3A_566] : memref<8x32x256xf32, #tpu.memory_space<vmem>> -> memref<1x32x256xf32, #tpu.memory_space<vmem>>
      %gather3A_568 = tpu.memref_squeeze %gather3A_567 : memref<1x32x256xf32, #tpu.memory_space<vmem>> -> memref<32x256xf32, #tpu.memory_space<vmem>>
      %gather3A_569 = tpu.vector_load_idx %gather3A_568[%add3A_563, %get3A_560] : memref<32x256xf32, #tpu.memory_space<vmem>>[vector<16xi32>, vector<16xi32>], vector<16xf32>,
      %ne3A_570 = arith.constant 0 : i32
      %ne3A_571 = vector.broadcast %ne3A_570 : i32 to vector<16xi32>
      %ne3A_572 = arith.cmpi ne, %get3A_560, %ne3A_571 : vector<16xi32>
      %sub3A_573 = arith.constant 1.000000e+00 : f32
      %sub3A_574 = vector.broadcast %sub3A_573 : f32 to vector<16xf32>
      %sub3A_575 = arith.subf %sub3A_574, %gather3A_569 : vector<16xf32>
      %mul3A_576 = arith.mulf %sub3A_575, %sub3A_575 : vector<16xf32>
      %jit3A_577 = arith.constant 0.000000e+00 : f32
      %broadcast_in_dim3A_578 = vector.broadcast %jit3A_577 : f32 to vector<16xf32>
      %select_n3A_579 = arith.select %ne3A_572, %mul3A_576, %broadcast_in_dim3A_578 : vector<16xi1>, vector<16xf32>
      %add3A_580 = arith.addf %add3A_518, %select_n3A_579 : vector<16xf32>
      %jit3A_581 = arith.constant 1.000000e+00 : f32
      %jit3A_582 = arith.constant 0.000000e+00 : f32
      %broadcast_in_dim3A_583 = vector.broadcast %jit3A_581 : f32 to vector<16xf32>
      %broadcast_in_dim3A_584 = vector.broadcast %jit3A_582 : f32 to vector<16xf32>
      %select_n3A_585 = arith.select %ne3A_572, %broadcast_in_dim3A_583, %broadcast_in_dim3A_584 : vector<16xi1>, vector<16xf32>
      %add3A_586 = arith.addf %add3A_524, %select_n3A_585 : vector<16xf32>
      %mul3A_587 = arith.constant 32 : i32
      %mul3A_588 = arith.muli %add3A_535, %mul3A_587 : i32
      %add3A_589 = arith.constant 16 : i32
      %add3A_590 = arith.addi %mul3A_588, %add3A_589 : i32
      %get3A_591 = arith.index_cast %add3A_590 : i32 to index
      %get3A_592 = tpu.vector_load %arg6[%get3A_591] {strides = array<i32>} : memref<8192xi32, #tpu.memory_space<vmem>>, vector<16xi32>,
      %add3A_593 = arith.constant 16 : i32
      %add3A_594 = vector.broadcast %add3A_593 : i32 to vector<16xi32>
      %add3A_595 = arith.addi %iota3A, %add3A_594 : vector<16xi32>
      %gather3A_596 = arith.constant 4 : i32
      %gather3A_597 = arith.constant 0 : i32
      %gather3A_598 = arith.constant 0 : i32
      %gather3A_599 = tpu.memref_slice %arg7[%gather3A_596, %gather3A_597, %gather3A_598] : memref<8x32x256xf32, #tpu.memory_space<vmem>> -> memref<1x32x256xf32, #tpu.memory_space<vmem>>
      %gather3A_600 = tpu.memref_squeeze %gather3A_599 : memref<1x32x256xf32, #tpu.memory_space<vmem>> -> memref<32x256xf32, #tpu.memory_space<vmem>>
      %gather3A_601 = tpu.vector_load_idx %gather3A_600[%add3A_595, %get3A_592] : memref<32x256xf32, #tpu.memory_space<vmem>>[vector<16xi32>, vector<16xi32>], vector<16xf32>,
      %ne3A_602 = arith.constant 0 : i32
      %ne3A_603 = vector.broadcast %ne3A_602 : i32 to vector<16xi32>
      %ne3A_604 = arith.cmpi ne, %get3A_592, %ne3A_603 : vector<16xi32>
      %sub3A_605 = arith.constant 1.000000e+00 : f32
      %sub3A_606 = vector.broadcast %sub3A_605 : f32 to vector<16xf32>
      %sub3A_607 = arith.subf %sub3A_606, %gather3A_601 : vector<16xf32>
      %mul3A_608 = arith.mulf %sub3A_607, %sub3A_607 : vector<16xf32>
      %jit3A_609 = arith.constant 0.000000e+00 : f32
      %broadcast_in_dim3A_610 = vector.broadcast %jit3A_609 : f32 to vector<16xf32>
      %select_n3A_611 = arith.select %ne3A_604, %mul3A_608, %broadcast_in_dim3A_610 : vector<16xi1>, vector<16xf32>
      %add3A_612 = arith.addf %add3A_580, %select_n3A_611 : vector<16xf32>
      %jit3A_613 = arith.constant 1.000000e+00 : f32
      %jit3A_614 = arith.constant 0.000000e+00 : f32
      %broadcast_in_dim3A_615 = vector.broadcast %jit3A_613 : f32 to vector<16xf32>
      %broadcast_in_dim3A_616 = vector.broadcast %jit3A_614 : f32 to vector<16xf32>
      %select_n3A_617 = arith.select %ne3A_604, %broadcast_in_dim3A_615, %broadcast_in_dim3A_616 : vector<16xi1>, vector<16xf32>
      %add3A_618 = arith.addf %add3A_586, %select_n3A_617 : vector<16xf32>
      %add3A_619 = arith.constant 8 : i32
      %add3A_620 = arith.addi %add3A_535, %add3A_619 : i32
      %lt3A_621 = arith.constant 256 : i32
      %lt3A_622 = arith.cmpi slt, %add3A_620, %lt3A_621 : i32
      %convert_element_type3A_623 = arith.extui %lt3A_622 : i1 to i32
      %cond3A_624 = arith.constant 0 : i32
      %cond3A_625 = arith.cmpi ne, %convert_element_type3A_623, %cond3A_624 : i32
      scf.if %cond3A_625 {
        %add3A_908 = arith.constant 8 : i32
        %add3A_909 = arith.addi %add3A_535, %add3A_908 : i32
        %mul3A_910 = arith.constant 32 : i32
        %mul3A_911 = arith.muli %add3A_909, %mul3A_910 : i32
        %add3A_912 = arith.addi %mul3A_2, %mul3A_911 : i32
        %dma_start3A_913 = arith.constant 4 : i32
        %dma_start3A_914 = arith.constant 4 : i32
        %dma_start3A_915 = arith.constant 0 : i32
        %dma_start3A_916 = arith.constant 0 : i32
        %dma_start3A_917 = tpu.memref_slice %arg7[%dma_start3A_913, %dma_start3A_915, %dma_start3A_916] : memref<8x32x256xf32, #tpu.memory_space<vmem>> -> memref<1x32x256xf32, #tpu.memory_space<vmem>>
        %dma_start3A_918 = tpu.memref_squeeze %dma_start3A_917 : memref<1x32x256xf32, #tpu.memory_space<vmem>> -> memref<32x256xf32, #tpu.memory_space<vmem>>
        %dma_start3A_919 = arith.constant 0 : i32
        %dma_start3A_920 = tpu.memref_slice %arg2[%add3A_912, %dma_start3A_919] : memref<262144x256xf32, #tpu.memory_space<hbm>> -> memref<32x256xf32, #tpu.memory_space<hbm>>
        %dma_start3A_921 = tpu.memref_slice %arg13[%dma_start3A_914] : memref<8x!tpu.dma_semaphore, #tpu.memory_space<semaphore_mem>> -> memref<1x!tpu.dma_semaphore, #tpu.memory_space<semaphore_mem>>
        %dma_start3A_922 = tpu.memref_squeeze %dma_start3A_921 : memref<1x!tpu.dma_semaphore, #tpu.memory_space<semaphore_mem>> -> memref<!tpu.dma_semaphore, #tpu.memory_space<semaphore_mem>>
        %dma_start3A_923 = arith.constant 0 : i32
        %dma_start3A_924 = arith.constant 0 : i32
        %dma_start3A_925 = tpu.memref_slice %arg7[%dma_start3A_913, %dma_start3A_923, %dma_start3A_924] : memref<8x32x256xf32, #tpu.memory_space<vmem>> -> memref<1x32x256xf32, #tpu.memory_space<vmem>>
        %dma_start3A_926 = tpu.memref_squeeze %dma_start3A_925 : memref<1x32x256xf32, #tpu.memory_space<vmem>> -> memref<32x256xf32, #tpu.memory_space<vmem>>
        %dma_start3A_927 = arith.constant 0 : i32
        %dma_start3A_928 = tpu.memref_slice %arg2[%add3A_912, %dma_start3A_927] : memref<262144x256xf32, #tpu.memory_space<hbm>> -> memref<32x256xf32, #tpu.memory_space<hbm>>
        tpu.enqueue_dma source(%dma_start3A_928 : memref<32x256xf32, #tpu.memory_space<hbm>>) target(%dma_start3A_926 : memref<32x256xf32, #tpu.memory_space<vmem>>) target_semaphore(%dma_start3A_922 : memref<!tpu.dma_semaphore, #tpu.memory_space<semaphore_mem>>)
      } else {
      }
      %mul3A_626 = arith.constant 8 : i32
      %mul3A_627 = arith.muli %scan3A_161, %mul3A_626 : i32
      %add3A_628 = arith.constant 5 : i32
      %add3A_629 = arith.addi %mul3A_627, %add3A_628 : i32
      %mul3A_630 = arith.constant 32 : i32
      %mul3A_631 = arith.muli %add3A_629, %mul3A_630 : i32
      %add3A_632 = arith.addi %mul3A_2, %mul3A_631 : i32
      %dma_wait3A_633 = arith.constant 5 : i32
      %dma_wait3A_634 = arith.constant 5 : i32
      %dma_wait3A_635 = arith.constant 0 : i32
      %dma_wait3A_636 = arith.constant 0 : i32
      %dma_wait3A_637 = tpu.memref_slice %arg7[%dma_wait3A_633, %dma_wait3A_635, %dma_wait3A_636] : memref<8x32x256xf32, #tpu.memory_space<vmem>> -> memref<1x32x256xf32, #tpu.memory_space<vmem>>
      %dma_wait3A_638 = tpu.memref_squeeze %dma_wait3A_637 : memref<1x32x256xf32, #tpu.memory_space<vmem>> -> memref<32x256xf32, #tpu.memory_space<vmem>>
      %dma_wait3A_639 = arith.constant 0 : i32
      %dma_wait3A_640 = tpu.memref_slice %arg2[%add3A_632, %dma_wait3A_639] : memref<262144x256xf32, #tpu.memory_space<hbm>> -> memref<32x256xf32, #tpu.memory_space<hbm>>
      %dma_wait3A_641 = tpu.memref_slice %arg13[%dma_wait3A_634] : memref<8x!tpu.dma_semaphore, #tpu.memory_space<semaphore_mem>> -> memref<1x!tpu.dma_semaphore, #tpu.memory_space<semaphore_mem>>
      %dma_wait3A_642 = tpu.memref_squeeze %dma_wait3A_641 : memref<1x!tpu.dma_semaphore, #tpu.memory_space<semaphore_mem>> -> memref<!tpu.dma_semaphore, #tpu.memory_space<semaphore_mem>>
      %dma_wait3A_643 = arith.constant 0 : i32
      %dma_wait3A_644 = arith.constant 0 : i32
      %dma_wait3A_645 = tpu.memref_slice %arg7[%dma_wait3A_633, %dma_wait3A_643, %dma_wait3A_644] : memref<8x32x256xf32, #tpu.memory_space<vmem>> -> memref<1x32x256xf32, #tpu.memory_space<vmem>>
      %dma_wait3A_646 = tpu.memref_squeeze %dma_wait3A_645 : memref<1x32x256xf32, #tpu.memory_space<vmem>> -> memref<32x256xf32, #tpu.memory_space<vmem>>
      %dma_wait3A_647 = arith.constant 0 : i32
      %dma_wait3A_648 = tpu.memref_slice %arg2[%add3A_632, %dma_wait3A_647] : memref<262144x256xf32, #tpu.memory_space<hbm>> -> memref<32x256xf32, #tpu.memory_space<hbm>>
      tpu.wait_dma2 semaphore(%dma_wait3A_642 : memref<!tpu.dma_semaphore, #tpu.memory_space<semaphore_mem>>) src(%dma_wait3A_648 : memref<32x256xf32, #tpu.memory_space<hbm>>) dst(%dma_wait3A_646 : memref<32x256xf32, #tpu.memory_space<vmem>>)
      %mul3A_649 = arith.constant 32 : i32
      %mul3A_650 = arith.muli %add3A_629, %mul3A_649 : i32
      %add3A_651 = arith.constant 0 : i32
      %add3A_652 = arith.addi %mul3A_650, %add3A_651 : i32
      %get3A_653 = arith.index_cast %add3A_652 : i32 to index
      %get3A_654 = tpu.vector_load %arg6[%get3A_653] {strides = array<i32>} : memref<8192xi32, #tpu.memory_space<vmem>>, vector<16xi32>,
      %add3A_655 = arith.constant 0 : i32
      %add3A_656 = vector.broadcast %add3A_655 : i32 to vector<16xi32>
      %add3A_657 = arith.addi %iota3A, %add3A_656 : vector<16xi32>
      %gather3A_658 = arith.constant 5 : i32
      %gather3A_659 = arith.constant 0 : i32
      %gather3A_660 = arith.constant 0 : i32
      %gather3A_661 = tpu.memref_slice %arg7[%gather3A_658, %gather3A_659, %gather3A_660] : memref<8x32x256xf32, #tpu.memory_space<vmem>> -> memref<1x32x256xf32, #tpu.memory_space<vmem>>
      %gather3A_662 = tpu.memref_squeeze %gather3A_661 : memref<1x32x256xf32, #tpu.memory_space<vmem>> -> memref<32x256xf32, #tpu.memory_space<vmem>>
      %gather3A_663 = tpu.vector_load_idx %gather3A_662[%add3A_657, %get3A_654] : memref<32x256xf32, #tpu.memory_space<vmem>>[vector<16xi32>, vector<16xi32>], vector<16xf32>,
      %ne3A_664 = arith.constant 0 : i32
      %ne3A_665 = vector.broadcast %ne3A_664 : i32 to vector<16xi32>
      %ne3A_666 = arith.cmpi ne, %get3A_654, %ne3A_665 : vector<16xi32>
      %sub3A_667 = arith.constant 1.000000e+00 : f32
      %sub3A_668 = vector.broadcast %sub3A_667 : f32 to vector<16xf32>
      %sub3A_669 = arith.subf %sub3A_668, %gather3A_663 : vector<16xf32>
      %mul3A_670 = arith.mulf %sub3A_669, %sub3A_669 : vector<16xf32>
      %jit3A_671 = arith.constant 0.000000e+00 : f32
      %broadcast_in_dim3A_672 = vector.broadcast %jit3A_671 : f32 to vector<16xf32>
      %select_n3A_673 = arith.select %ne3A_666, %mul3A_670, %broadcast_in_dim3A_672 : vector<16xi1>, vector<16xf32>
      %add3A_674 = arith.addf %add3A_612, %select_n3A_673 : vector<16xf32>
      %jit3A_675 = arith.constant 1.000000e+00 : f32
      %jit3A_676 = arith.constant 0.000000e+00 : f32
      %broadcast_in_dim3A_677 = vector.broadcast %jit3A_675 : f32 to vector<16xf32>
      %broadcast_in_dim3A_678 = vector.broadcast %jit3A_676 : f32 to vector<16xf32>
      %select_n3A_679 = arith.select %ne3A_666, %broadcast_in_dim3A_677, %broadcast_in_dim3A_678 : vector<16xi1>, vector<16xf32>
      %add3A_680 = arith.addf %add3A_618, %select_n3A_679 : vector<16xf32>
      %mul3A_681 = arith.constant 32 : i32
      %mul3A_682 = arith.muli %add3A_629, %mul3A_681 : i32
      %add3A_683 = arith.constant 16 : i32
      %add3A_684 = arith.addi %mul3A_682, %add3A_683 : i32
      %get3A_685 = arith.index_cast %add3A_684 : i32 to index
      %get3A_686 = tpu.vector_load %arg6[%get3A_685] {strides = array<i32>} : memref<8192xi32, #tpu.memory_space<vmem>>, vector<16xi32>,
      %add3A_687 = arith.constant 16 : i32
      %add3A_688 = vector.broadcast %add3A_687 : i32 to vector<16xi32>
      %add3A_689 = arith.addi %iota3A, %add3A_688 : vector<16xi32>
      %gather3A_690 = arith.constant 5 : i32
      %gather3A_691 = arith.constant 0 : i32
      %gather3A_692 = arith.constant 0 : i32
      %gather3A_693 = tpu.memref_slice %arg7[%gather3A_690, %gather3A_691, %gather3A_692] : memref<8x32x256xf32, #tpu.memory_space<vmem>> -> memref<1x32x256xf32, #tpu.memory_space<vmem>>
      %gather3A_694 = tpu.memref_squeeze %gather3A_693 : memref<1x32x256xf32, #tpu.memory_space<vmem>> -> memref<32x256xf32, #tpu.memory_space<vmem>>
      %gather3A_695 = tpu.vector_load_idx %gather3A_694[%add3A_689, %get3A_686] : memref<32x256xf32, #tpu.memory_space<vmem>>[vector<16xi32>, vector<16xi32>], vector<16xf32>,
      %ne3A_696 = arith.constant 0 : i32
      %ne3A_697 = vector.broadcast %ne3A_696 : i32 to vector<16xi32>
      %ne3A_698 = arith.cmpi ne, %get3A_686, %ne3A_697 : vector<16xi32>
      %sub3A_699 = arith.constant 1.000000e+00 : f32
      %sub3A_700 = vector.broadcast %sub3A_699 : f32 to vector<16xf32>
      %sub3A_701 = arith.subf %sub3A_700, %gather3A_695 : vector<16xf32>
      %mul3A_702 = arith.mulf %sub3A_701, %sub3A_701 : vector<16xf32>
      %jit3A_703 = arith.constant 0.000000e+00 : f32
      %broadcast_in_dim3A_704 = vector.broadcast %jit3A_703 : f32 to vector<16xf32>
      %select_n3A_705 = arith.select %ne3A_698, %mul3A_702, %broadcast_in_dim3A_704 : vector<16xi1>, vector<16xf32>
      %add3A_706 = arith.addf %add3A_674, %select_n3A_705 : vector<16xf32>
      %jit3A_707 = arith.constant 1.000000e+00 : f32
      %jit3A_708 = arith.constant 0.000000e+00 : f32
      %broadcast_in_dim3A_709 = vector.broadcast %jit3A_707 : f32 to vector<16xf32>
      %broadcast_in_dim3A_710 = vector.broadcast %jit3A_708 : f32 to vector<16xf32>
      %select_n3A_711 = arith.select %ne3A_698, %broadcast_in_dim3A_709, %broadcast_in_dim3A_710 : vector<16xi1>, vector<16xf32>
      %add3A_712 = arith.addf %add3A_680, %select_n3A_711 : vector<16xf32>
      %add3A_713 = arith.constant 8 : i32
      %add3A_714 = arith.addi %add3A_629, %add3A_713 : i32
      %lt3A_715 = arith.constant 256 : i32
      %lt3A_716 = arith.cmpi slt, %add3A_714, %lt3A_715 : i32
      %convert_element_type3A_717 = arith.extui %lt3A_716 : i1 to i32
      %cond3A_718 = arith.constant 0 : i32
      %cond3A_719 = arith.cmpi ne, %convert_element_type3A_717, %cond3A_718 : i32
      scf.if %cond3A_719 {
        %add3A_908 = arith.constant 8 : i32
        %add3A_909 = arith.addi %add3A_629, %add3A_908 : i32
        %mul3A_910 = arith.constant 32 : i32
        %mul3A_911 = arith.muli %add3A_909, %mul3A_910 : i32
        %add3A_912 = arith.addi %mul3A_2, %mul3A_911 : i32
        %dma_start3A_913 = arith.constant 5 : i32
        %dma_start3A_914 = arith.constant 5 : i32
        %dma_start3A_915 = arith.constant 0 : i32
        %dma_start3A_916 = arith.constant 0 : i32
        %dma_start3A_917 = tpu.memref_slice %arg7[%dma_start3A_913, %dma_start3A_915, %dma_start3A_916] : memref<8x32x256xf32, #tpu.memory_space<vmem>> -> memref<1x32x256xf32, #tpu.memory_space<vmem>>
        %dma_start3A_918 = tpu.memref_squeeze %dma_start3A_917 : memref<1x32x256xf32, #tpu.memory_space<vmem>> -> memref<32x256xf32, #tpu.memory_space<vmem>>
        %dma_start3A_919 = arith.constant 0 : i32
        %dma_start3A_920 = tpu.memref_slice %arg2[%add3A_912, %dma_start3A_919] : memref<262144x256xf32, #tpu.memory_space<hbm>> -> memref<32x256xf32, #tpu.memory_space<hbm>>
        %dma_start3A_921 = tpu.memref_slice %arg13[%dma_start3A_914] : memref<8x!tpu.dma_semaphore, #tpu.memory_space<semaphore_mem>> -> memref<1x!tpu.dma_semaphore, #tpu.memory_space<semaphore_mem>>
        %dma_start3A_922 = tpu.memref_squeeze %dma_start3A_921 : memref<1x!tpu.dma_semaphore, #tpu.memory_space<semaphore_mem>> -> memref<!tpu.dma_semaphore, #tpu.memory_space<semaphore_mem>>
        %dma_start3A_923 = arith.constant 0 : i32
        %dma_start3A_924 = arith.constant 0 : i32
        %dma_start3A_925 = tpu.memref_slice %arg7[%dma_start3A_913, %dma_start3A_923, %dma_start3A_924] : memref<8x32x256xf32, #tpu.memory_space<vmem>> -> memref<1x32x256xf32, #tpu.memory_space<vmem>>
        %dma_start3A_926 = tpu.memref_squeeze %dma_start3A_925 : memref<1x32x256xf32, #tpu.memory_space<vmem>> -> memref<32x256xf32, #tpu.memory_space<vmem>>
        %dma_start3A_927 = arith.constant 0 : i32
        %dma_start3A_928 = tpu.memref_slice %arg2[%add3A_912, %dma_start3A_927] : memref<262144x256xf32, #tpu.memory_space<hbm>> -> memref<32x256xf32, #tpu.memory_space<hbm>>
        tpu.enqueue_dma source(%dma_start3A_928 : memref<32x256xf32, #tpu.memory_space<hbm>>) target(%dma_start3A_926 : memref<32x256xf32, #tpu.memory_space<vmem>>) target_semaphore(%dma_start3A_922 : memref<!tpu.dma_semaphore, #tpu.memory_space<semaphore_mem>>)
      } else {
      }
      %mul3A_720 = arith.constant 8 : i32
      %mul3A_721 = arith.muli %scan3A_161, %mul3A_720 : i32
      %add3A_722 = arith.constant 6 : i32
      %add3A_723 = arith.addi %mul3A_721, %add3A_722 : i32
      %mul3A_724 = arith.constant 32 : i32
      %mul3A_725 = arith.muli %add3A_723, %mul3A_724 : i32
      %add3A_726 = arith.addi %mul3A_2, %mul3A_725 : i32
      %dma_wait3A_727 = arith.constant 6 : i32
      %dma_wait3A_728 = arith.constant 6 : i32
      %dma_wait3A_729 = arith.constant 0 : i32
      %dma_wait3A_730 = arith.constant 0 : i32
      %dma_wait3A_731 = tpu.memref_slice %arg7[%dma_wait3A_727, %dma_wait3A_729, %dma_wait3A_730] : memref<8x32x256xf32, #tpu.memory_space<vmem>> -> memref<1x32x256xf32, #tpu.memory_space<vmem>>
      %dma_wait3A_732 = tpu.memref_squeeze %dma_wait3A_731 : memref<1x32x256xf32, #tpu.memory_space<vmem>> -> memref<32x256xf32, #tpu.memory_space<vmem>>
      %dma_wait3A_733 = arith.constant 0 : i32
      %dma_wait3A_734 = tpu.memref_slice %arg2[%add3A_726, %dma_wait3A_733] : memref<262144x256xf32, #tpu.memory_space<hbm>> -> memref<32x256xf32, #tpu.memory_space<hbm>>
      %dma_wait3A_735 = tpu.memref_slice %arg13[%dma_wait3A_728] : memref<8x!tpu.dma_semaphore, #tpu.memory_space<semaphore_mem>> -> memref<1x!tpu.dma_semaphore, #tpu.memory_space<semaphore_mem>>
      %dma_wait3A_736 = tpu.memref_squeeze %dma_wait3A_735 : memref<1x!tpu.dma_semaphore, #tpu.memory_space<semaphore_mem>> -> memref<!tpu.dma_semaphore, #tpu.memory_space<semaphore_mem>>
      %dma_wait3A_737 = arith.constant 0 : i32
      %dma_wait3A_738 = arith.constant 0 : i32
      %dma_wait3A_739 = tpu.memref_slice %arg7[%dma_wait3A_727, %dma_wait3A_737, %dma_wait3A_738] : memref<8x32x256xf32, #tpu.memory_space<vmem>> -> memref<1x32x256xf32, #tpu.memory_space<vmem>>
      %dma_wait3A_740 = tpu.memref_squeeze %dma_wait3A_739 : memref<1x32x256xf32, #tpu.memory_space<vmem>> -> memref<32x256xf32, #tpu.memory_space<vmem>>
      %dma_wait3A_741 = arith.constant 0 : i32
      %dma_wait3A_742 = tpu.memref_slice %arg2[%add3A_726, %dma_wait3A_741] : memref<262144x256xf32, #tpu.memory_space<hbm>> -> memref<32x256xf32, #tpu.memory_space<hbm>>
      tpu.wait_dma2 semaphore(%dma_wait3A_736 : memref<!tpu.dma_semaphore, #tpu.memory_space<semaphore_mem>>) src(%dma_wait3A_742 : memref<32x256xf32, #tpu.memory_space<hbm>>) dst(%dma_wait3A_740 : memref<32x256xf32, #tpu.memory_space<vmem>>)
      %mul3A_743 = arith.constant 32 : i32
      %mul3A_744 = arith.muli %add3A_723, %mul3A_743 : i32
      %add3A_745 = arith.constant 0 : i32
      %add3A_746 = arith.addi %mul3A_744, %add3A_745 : i32
      %get3A_747 = arith.index_cast %add3A_746 : i32 to index
      %get3A_748 = tpu.vector_load %arg6[%get3A_747] {strides = array<i32>} : memref<8192xi32, #tpu.memory_space<vmem>>, vector<16xi32>,
      %add3A_749 = arith.constant 0 : i32
      %add3A_750 = vector.broadcast %add3A_749 : i32 to vector<16xi32>
      %add3A_751 = arith.addi %iota3A, %add3A_750 : vector<16xi32>
      %gather3A_752 = arith.constant 6 : i32
      %gather3A_753 = arith.constant 0 : i32
      %gather3A_754 = arith.constant 0 : i32
      %gather3A_755 = tpu.memref_slice %arg7[%gather3A_752, %gather3A_753, %gather3A_754] : memref<8x32x256xf32, #tpu.memory_space<vmem>> -> memref<1x32x256xf32, #tpu.memory_space<vmem>>
      %gather3A_756 = tpu.memref_squeeze %gather3A_755 : memref<1x32x256xf32, #tpu.memory_space<vmem>> -> memref<32x256xf32, #tpu.memory_space<vmem>>
      %gather3A_757 = tpu.vector_load_idx %gather3A_756[%add3A_751, %get3A_748] : memref<32x256xf32, #tpu.memory_space<vmem>>[vector<16xi32>, vector<16xi32>], vector<16xf32>,
      %ne3A_758 = arith.constant 0 : i32
      %ne3A_759 = vector.broadcast %ne3A_758 : i32 to vector<16xi32>
      %ne3A_760 = arith.cmpi ne, %get3A_748, %ne3A_759 : vector<16xi32>
      %sub3A_761 = arith.constant 1.000000e+00 : f32
      %sub3A_762 = vector.broadcast %sub3A_761 : f32 to vector<16xf32>
      %sub3A_763 = arith.subf %sub3A_762, %gather3A_757 : vector<16xf32>
      %mul3A_764 = arith.mulf %sub3A_763, %sub3A_763 : vector<16xf32>
      %jit3A_765 = arith.constant 0.000000e+00 : f32
      %broadcast_in_dim3A_766 = vector.broadcast %jit3A_765 : f32 to vector<16xf32>
      %select_n3A_767 = arith.select %ne3A_760, %mul3A_764, %broadcast_in_dim3A_766 : vector<16xi1>, vector<16xf32>
      %add3A_768 = arith.addf %add3A_706, %select_n3A_767 : vector<16xf32>
      %jit3A_769 = arith.constant 1.000000e+00 : f32
      %jit3A_770 = arith.constant 0.000000e+00 : f32
      %broadcast_in_dim3A_771 = vector.broadcast %jit3A_769 : f32 to vector<16xf32>
      %broadcast_in_dim3A_772 = vector.broadcast %jit3A_770 : f32 to vector<16xf32>
      %select_n3A_773 = arith.select %ne3A_760, %broadcast_in_dim3A_771, %broadcast_in_dim3A_772 : vector<16xi1>, vector<16xf32>
      %add3A_774 = arith.addf %add3A_712, %select_n3A_773 : vector<16xf32>
      %mul3A_775 = arith.constant 32 : i32
      %mul3A_776 = arith.muli %add3A_723, %mul3A_775 : i32
      %add3A_777 = arith.constant 16 : i32
      %add3A_778 = arith.addi %mul3A_776, %add3A_777 : i32
      %get3A_779 = arith.index_cast %add3A_778 : i32 to index
      %get3A_780 = tpu.vector_load %arg6[%get3A_779] {strides = array<i32>} : memref<8192xi32, #tpu.memory_space<vmem>>, vector<16xi32>,
      %add3A_781 = arith.constant 16 : i32
      %add3A_782 = vector.broadcast %add3A_781 : i32 to vector<16xi32>
      %add3A_783 = arith.addi %iota3A, %add3A_782 : vector<16xi32>
      %gather3A_784 = arith.constant 6 : i32
      %gather3A_785 = arith.constant 0 : i32
      %gather3A_786 = arith.constant 0 : i32
      %gather3A_787 = tpu.memref_slice %arg7[%gather3A_784, %gather3A_785, %gather3A_786] : memref<8x32x256xf32, #tpu.memory_space<vmem>> -> memref<1x32x256xf32, #tpu.memory_space<vmem>>
      %gather3A_788 = tpu.memref_squeeze %gather3A_787 : memref<1x32x256xf32, #tpu.memory_space<vmem>> -> memref<32x256xf32, #tpu.memory_space<vmem>>
      %gather3A_789 = tpu.vector_load_idx %gather3A_788[%add3A_783, %get3A_780] : memref<32x256xf32, #tpu.memory_space<vmem>>[vector<16xi32>, vector<16xi32>], vector<16xf32>,
      %ne3A_790 = arith.constant 0 : i32
      %ne3A_791 = vector.broadcast %ne3A_790 : i32 to vector<16xi32>
      %ne3A_792 = arith.cmpi ne, %get3A_780, %ne3A_791 : vector<16xi32>
      %sub3A_793 = arith.constant 1.000000e+00 : f32
      %sub3A_794 = vector.broadcast %sub3A_793 : f32 to vector<16xf32>
      %sub3A_795 = arith.subf %sub3A_794, %gather3A_789 : vector<16xf32>
      %mul3A_796 = arith.mulf %sub3A_795, %sub3A_795 : vector<16xf32>
      %jit3A_797 = arith.constant 0.000000e+00 : f32
      %broadcast_in_dim3A_798 = vector.broadcast %jit3A_797 : f32 to vector<16xf32>
      %select_n3A_799 = arith.select %ne3A_792, %mul3A_796, %broadcast_in_dim3A_798 : vector<16xi1>, vector<16xf32>
      %add3A_800 = arith.addf %add3A_768, %select_n3A_799 : vector<16xf32>
      %jit3A_801 = arith.constant 1.000000e+00 : f32
      %jit3A_802 = arith.constant 0.000000e+00 : f32
      %broadcast_in_dim3A_803 = vector.broadcast %jit3A_801 : f32 to vector<16xf32>
      %broadcast_in_dim3A_804 = vector.broadcast %jit3A_802 : f32 to vector<16xf32>
      %select_n3A_805 = arith.select %ne3A_792, %broadcast_in_dim3A_803, %broadcast_in_dim3A_804 : vector<16xi1>, vector<16xf32>
      %add3A_806 = arith.addf %add3A_774, %select_n3A_805 : vector<16xf32>
      %add3A_807 = arith.constant 8 : i32
      %add3A_808 = arith.addi %add3A_723, %add3A_807 : i32
      %lt3A_809 = arith.constant 256 : i32
      %lt3A_810 = arith.cmpi slt, %add3A_808, %lt3A_809 : i32
      %convert_element_type3A_811 = arith.extui %lt3A_810 : i1 to i32
      %cond3A_812 = arith.constant 0 : i32
      %cond3A_813 = arith.cmpi ne, %convert_element_type3A_811, %cond3A_812 : i32
      scf.if %cond3A_813 {
        %add3A_908 = arith.constant 8 : i32
        %add3A_909 = arith.addi %add3A_723, %add3A_908 : i32
        %mul3A_910 = arith.constant 32 : i32
        %mul3A_911 = arith.muli %add3A_909, %mul3A_910 : i32
        %add3A_912 = arith.addi %mul3A_2, %mul3A_911 : i32
        %dma_start3A_913 = arith.constant 6 : i32
        %dma_start3A_914 = arith.constant 6 : i32
        %dma_start3A_915 = arith.constant 0 : i32
        %dma_start3A_916 = arith.constant 0 : i32
        %dma_start3A_917 = tpu.memref_slice %arg7[%dma_start3A_913, %dma_start3A_915, %dma_start3A_916] : memref<8x32x256xf32, #tpu.memory_space<vmem>> -> memref<1x32x256xf32, #tpu.memory_space<vmem>>
        %dma_start3A_918 = tpu.memref_squeeze %dma_start3A_917 : memref<1x32x256xf32, #tpu.memory_space<vmem>> -> memref<32x256xf32, #tpu.memory_space<vmem>>
        %dma_start3A_919 = arith.constant 0 : i32
        %dma_start3A_920 = tpu.memref_slice %arg2[%add3A_912, %dma_start3A_919] : memref<262144x256xf32, #tpu.memory_space<hbm>> -> memref<32x256xf32, #tpu.memory_space<hbm>>
        %dma_start3A_921 = tpu.memref_slice %arg13[%dma_start3A_914] : memref<8x!tpu.dma_semaphore, #tpu.memory_space<semaphore_mem>> -> memref<1x!tpu.dma_semaphore, #tpu.memory_space<semaphore_mem>>
        %dma_start3A_922 = tpu.memref_squeeze %dma_start3A_921 : memref<1x!tpu.dma_semaphore, #tpu.memory_space<semaphore_mem>> -> memref<!tpu.dma_semaphore, #tpu.memory_space<semaphore_mem>>
        %dma_start3A_923 = arith.constant 0 : i32
        %dma_start3A_924 = arith.constant 0 : i32
        %dma_start3A_925 = tpu.memref_slice %arg7[%dma_start3A_913, %dma_start3A_923, %dma_start3A_924] : memref<8x32x256xf32, #tpu.memory_space<vmem>> -> memref<1x32x256xf32, #tpu.memory_space<vmem>>
        %dma_start3A_926 = tpu.memref_squeeze %dma_start3A_925 : memref<1x32x256xf32, #tpu.memory_space<vmem>> -> memref<32x256xf32, #tpu.memory_space<vmem>>
        %dma_start3A_927 = arith.constant 0 : i32
        %dma_start3A_928 = tpu.memref_slice %arg2[%add3A_912, %dma_start3A_927] : memref<262144x256xf32, #tpu.memory_space<hbm>> -> memref<32x256xf32, #tpu.memory_space<hbm>>
        tpu.enqueue_dma source(%dma_start3A_928 : memref<32x256xf32, #tpu.memory_space<hbm>>) target(%dma_start3A_926 : memref<32x256xf32, #tpu.memory_space<vmem>>) target_semaphore(%dma_start3A_922 : memref<!tpu.dma_semaphore, #tpu.memory_space<semaphore_mem>>)
      } else {
      }
      %mul3A_814 = arith.constant 8 : i32
      %mul3A_815 = arith.muli %scan3A_161, %mul3A_814 : i32
      %add3A_816 = arith.constant 7 : i32
      %add3A_817 = arith.addi %mul3A_815, %add3A_816 : i32
      %mul3A_818 = arith.constant 32 : i32
      %mul3A_819 = arith.muli %add3A_817, %mul3A_818 : i32
      %add3A_820 = arith.addi %mul3A_2, %mul3A_819 : i32
      %dma_wait3A_821 = arith.constant 7 : i32
      %dma_wait3A_822 = arith.constant 7 : i32
      %dma_wait3A_823 = arith.constant 0 : i32
      %dma_wait3A_824 = arith.constant 0 : i32
      %dma_wait3A_825 = tpu.memref_slice %arg7[%dma_wait3A_821, %dma_wait3A_823, %dma_wait3A_824] : memref<8x32x256xf32, #tpu.memory_space<vmem>> -> memref<1x32x256xf32, #tpu.memory_space<vmem>>
      %dma_wait3A_826 = tpu.memref_squeeze %dma_wait3A_825 : memref<1x32x256xf32, #tpu.memory_space<vmem>> -> memref<32x256xf32, #tpu.memory_space<vmem>>
      %dma_wait3A_827 = arith.constant 0 : i32
      %dma_wait3A_828 = tpu.memref_slice %arg2[%add3A_820, %dma_wait3A_827] : memref<262144x256xf32, #tpu.memory_space<hbm>> -> memref<32x256xf32, #tpu.memory_space<hbm>>
      %dma_wait3A_829 = tpu.memref_slice %arg13[%dma_wait3A_822] : memref<8x!tpu.dma_semaphore, #tpu.memory_space<semaphore_mem>> -> memref<1x!tpu.dma_semaphore, #tpu.memory_space<semaphore_mem>>
      %dma_wait3A_830 = tpu.memref_squeeze %dma_wait3A_829 : memref<1x!tpu.dma_semaphore, #tpu.memory_space<semaphore_mem>> -> memref<!tpu.dma_semaphore, #tpu.memory_space<semaphore_mem>>
      %dma_wait3A_831 = arith.constant 0 : i32
      %dma_wait3A_832 = arith.constant 0 : i32
      %dma_wait3A_833 = tpu.memref_slice %arg7[%dma_wait3A_821, %dma_wait3A_831, %dma_wait3A_832] : memref<8x32x256xf32, #tpu.memory_space<vmem>> -> memref<1x32x256xf32, #tpu.memory_space<vmem>>
      %dma_wait3A_834 = tpu.memref_squeeze %dma_wait3A_833 : memref<1x32x256xf32, #tpu.memory_space<vmem>> -> memref<32x256xf32, #tpu.memory_space<vmem>>
      %dma_wait3A_835 = arith.constant 0 : i32
      %dma_wait3A_836 = tpu.memref_slice %arg2[%add3A_820, %dma_wait3A_835] : memref<262144x256xf32, #tpu.memory_space<hbm>> -> memref<32x256xf32, #tpu.memory_space<hbm>>
      tpu.wait_dma2 semaphore(%dma_wait3A_830 : memref<!tpu.dma_semaphore, #tpu.memory_space<semaphore_mem>>) src(%dma_wait3A_836 : memref<32x256xf32, #tpu.memory_space<hbm>>) dst(%dma_wait3A_834 : memref<32x256xf32, #tpu.memory_space<vmem>>)
      %mul3A_837 = arith.constant 32 : i32
      %mul3A_838 = arith.muli %add3A_817, %mul3A_837 : i32
      %add3A_839 = arith.constant 0 : i32
      %add3A_840 = arith.addi %mul3A_838, %add3A_839 : i32
      %get3A_841 = arith.index_cast %add3A_840 : i32 to index
      %get3A_842 = tpu.vector_load %arg6[%get3A_841] {strides = array<i32>} : memref<8192xi32, #tpu.memory_space<vmem>>, vector<16xi32>,
      %add3A_843 = arith.constant 0 : i32
      %add3A_844 = vector.broadcast %add3A_843 : i32 to vector<16xi32>
      %add3A_845 = arith.addi %iota3A, %add3A_844 : vector<16xi32>
      %gather3A_846 = arith.constant 7 : i32
      %gather3A_847 = arith.constant 0 : i32
      %gather3A_848 = arith.constant 0 : i32
      %gather3A_849 = tpu.memref_slice %arg7[%gather3A_846, %gather3A_847, %gather3A_848] : memref<8x32x256xf32, #tpu.memory_space<vmem>> -> memref<1x32x256xf32, #tpu.memory_space<vmem>>
      %gather3A_850 = tpu.memref_squeeze %gather3A_849 : memref<1x32x256xf32, #tpu.memory_space<vmem>> -> memref<32x256xf32, #tpu.memory_space<vmem>>
      %gather3A_851 = tpu.vector_load_idx %gather3A_850[%add3A_845, %get3A_842] : memref<32x256xf32, #tpu.memory_space<vmem>>[vector<16xi32>, vector<16xi32>], vector<16xf32>,
      %ne3A_852 = arith.constant 0 : i32
      %ne3A_853 = vector.broadcast %ne3A_852 : i32 to vector<16xi32>
      %ne3A_854 = arith.cmpi ne, %get3A_842, %ne3A_853 : vector<16xi32>
      %sub3A_855 = arith.constant 1.000000e+00 : f32
      %sub3A_856 = vector.broadcast %sub3A_855 : f32 to vector<16xf32>
      %sub3A_857 = arith.subf %sub3A_856, %gather3A_851 : vector<16xf32>
      %mul3A_858 = arith.mulf %sub3A_857, %sub3A_857 : vector<16xf32>
      %jit3A_859 = arith.constant 0.000000e+00 : f32
      %broadcast_in_dim3A_860 = vector.broadcast %jit3A_859 : f32 to vector<16xf32>
      %select_n3A_861 = arith.select %ne3A_854, %mul3A_858, %broadcast_in_dim3A_860 : vector<16xi1>, vector<16xf32>
      %add3A_862 = arith.addf %add3A_800, %select_n3A_861 : vector<16xf32>
      %jit3A_863 = arith.constant 1.000000e+00 : f32
      %jit3A_864 = arith.constant 0.000000e+00 : f32
      %broadcast_in_dim3A_865 = vector.broadcast %jit3A_863 : f32 to vector<16xf32>
      %broadcast_in_dim3A_866 = vector.broadcast %jit3A_864 : f32 to vector<16xf32>
      %select_n3A_867 = arith.select %ne3A_854, %broadcast_in_dim3A_865, %broadcast_in_dim3A_866 : vector<16xi1>, vector<16xf32>
      %add3A_868 = arith.addf %add3A_806, %select_n3A_867 : vector<16xf32>
      %mul3A_869 = arith.constant 32 : i32
      %mul3A_870 = arith.muli %add3A_817, %mul3A_869 : i32
      %add3A_871 = arith.constant 16 : i32
      %add3A_872 = arith.addi %mul3A_870, %add3A_871 : i32
      %get3A_873 = arith.index_cast %add3A_872 : i32 to index
      %get3A_874 = tpu.vector_load %arg6[%get3A_873] {strides = array<i32>} : memref<8192xi32, #tpu.memory_space<vmem>>, vector<16xi32>,
      %add3A_875 = arith.constant 16 : i32
      %add3A_876 = vector.broadcast %add3A_875 : i32 to vector<16xi32>
      %add3A_877 = arith.addi %iota3A, %add3A_876 : vector<16xi32>
      %gather3A_878 = arith.constant 7 : i32
      %gather3A_879 = arith.constant 0 : i32
      %gather3A_880 = arith.constant 0 : i32
      %gather3A_881 = tpu.memref_slice %arg7[%gather3A_878, %gather3A_879, %gather3A_880] : memref<8x32x256xf32, #tpu.memory_space<vmem>> -> memref<1x32x256xf32, #tpu.memory_space<vmem>>
      %gather3A_882 = tpu.memref_squeeze %gather3A_881 : memref<1x32x256xf32, #tpu.memory_space<vmem>> -> memref<32x256xf32, #tpu.memory_space<vmem>>
      %gather3A_883 = tpu.vector_load_idx %gather3A_882[%add3A_877, %get3A_874] : memref<32x256xf32, #tpu.memory_space<vmem>>[vector<16xi32>, vector<16xi32>], vector<16xf32>,
      %ne3A_884 = arith.constant 0 : i32
      %ne3A_885 = vector.broadcast %ne3A_884 : i32 to vector<16xi32>
      %ne3A_886 = arith.cmpi ne, %get3A_874, %ne3A_885 : vector<16xi32>
      %sub3A_887 = arith.constant 1.000000e+00 : f32
      %sub3A_888 = vector.broadcast %sub3A_887 : f32 to vector<16xf32>
      %sub3A_889 = arith.subf %sub3A_888, %gather3A_883 : vector<16xf32>
      %mul3A_890 = arith.mulf %sub3A_889, %sub3A_889 : vector<16xf32>
      %jit3A_891 = arith.constant 0.000000e+00 : f32
      %broadcast_in_dim3A_892 = vector.broadcast %jit3A_891 : f32 to vector<16xf32>
      %select_n3A_893 = arith.select %ne3A_886, %mul3A_890, %broadcast_in_dim3A_892 : vector<16xi1>, vector<16xf32>
      %add3A_894 = arith.addf %add3A_862, %select_n3A_893 : vector<16xf32>
      %jit3A_895 = arith.constant 1.000000e+00 : f32
      %jit3A_896 = arith.constant 0.000000e+00 : f32
      %broadcast_in_dim3A_897 = vector.broadcast %jit3A_895 : f32 to vector<16xf32>
      %broadcast_in_dim3A_898 = vector.broadcast %jit3A_896 : f32 to vector<16xf32>
      %select_n3A_899 = arith.select %ne3A_886, %broadcast_in_dim3A_897, %broadcast_in_dim3A_898 : vector<16xi1>, vector<16xf32>
      %add3A_900 = arith.addf %add3A_868, %select_n3A_899 : vector<16xf32>
      %add3A_901 = arith.constant 8 : i32
      %add3A_902 = arith.addi %add3A_817, %add3A_901 : i32
      %lt3A_903 = arith.constant 256 : i32
      %lt3A_904 = arith.cmpi slt, %add3A_902, %lt3A_903 : i32
      %convert_element_type3A_905 = arith.extui %lt3A_904 : i1 to i32
      %cond3A_906 = arith.constant 0 : i32
      %cond3A_907 = arith.cmpi ne, %convert_element_type3A_905, %cond3A_906 : i32
      scf.if %cond3A_907 {
        %add3A_908 = arith.constant 8 : i32
        %add3A_909 = arith.addi %add3A_817, %add3A_908 : i32
        %mul3A_910 = arith.constant 32 : i32
        %mul3A_911 = arith.muli %add3A_909, %mul3A_910 : i32
        %add3A_912 = arith.addi %mul3A_2, %mul3A_911 : i32
        %dma_start3A_913 = arith.constant 7 : i32
        %dma_start3A_914 = arith.constant 7 : i32
        %dma_start3A_915 = arith.constant 0 : i32
        %dma_start3A_916 = arith.constant 0 : i32
        %dma_start3A_917 = tpu.memref_slice %arg7[%dma_start3A_913, %dma_start3A_915, %dma_start3A_916] : memref<8x32x256xf32, #tpu.memory_space<vmem>> -> memref<1x32x256xf32, #tpu.memory_space<vmem>>
        %dma_start3A_918 = tpu.memref_squeeze %dma_start3A_917 : memref<1x32x256xf32, #tpu.memory_space<vmem>> -> memref<32x256xf32, #tpu.memory_space<vmem>>
        %dma_start3A_919 = arith.constant 0 : i32
        %dma_start3A_920 = tpu.memref_slice %arg2[%add3A_912, %dma_start3A_919] : memref<262144x256xf32, #tpu.memory_space<hbm>> -> memref<32x256xf32, #tpu.memory_space<hbm>>
        %dma_start3A_921 = tpu.memref_slice %arg13[%dma_start3A_914] : memref<8x!tpu.dma_semaphore, #tpu.memory_space<semaphore_mem>> -> memref<1x!tpu.dma_semaphore, #tpu.memory_space<semaphore_mem>>
        %dma_start3A_922 = tpu.memref_squeeze %dma_start3A_921 : memref<1x!tpu.dma_semaphore, #tpu.memory_space<semaphore_mem>> -> memref<!tpu.dma_semaphore, #tpu.memory_space<semaphore_mem>>
        %dma_start3A_923 = arith.constant 0 : i32
        %dma_start3A_924 = arith.constant 0 : i32
        %dma_start3A_925 = tpu.memref_slice %arg7[%dma_start3A_913, %dma_start3A_923, %dma_start3A_924] : memref<8x32x256xf32, #tpu.memory_space<vmem>> -> memref<1x32x256xf32, #tpu.memory_space<vmem>>
        %dma_start3A_926 = tpu.memref_squeeze %dma_start3A_925 : memref<1x32x256xf32, #tpu.memory_space<vmem>> -> memref<32x256xf32, #tpu.memory_space<vmem>>
        %dma_start3A_927 = arith.constant 0 : i32
        %dma_start3A_928 = tpu.memref_slice %arg2[%add3A_912, %dma_start3A_927] : memref<262144x256xf32, #tpu.memory_space<hbm>> -> memref<32x256xf32, #tpu.memory_space<hbm>>
        tpu.enqueue_dma source(%dma_start3A_928 : memref<32x256xf32, #tpu.memory_space<hbm>>) target(%dma_start3A_926 : memref<32x256xf32, #tpu.memory_space<vmem>>) target_semaphore(%dma_start3A_922 : memref<!tpu.dma_semaphore, #tpu.memory_space<semaphore_mem>>)
      } else {
      }
      scf.yield %add3A_894, %add3A_900 : vector<16xf32>, vector<16xf32>
    }
    %scan3A_151 = arith.constant 32 : i32
    %swap3A = arith.constant 0 : i32
    %swap3A_152 = arith.index_cast %swap3A : i32 to index
    %swap3A_153 = arith.constant 0 : index
    %swap3A_154 = tpu.vector_load %arg8[%swap3A_152, %swap3A_153] {strides = array<i32>} : memref<2x16xf32, #tpu.memory_space<vmem>>, vector<16xf32>,
    tpu.vector_store %arg8[%swap3A_152, %swap3A_153], %scan3A_150#0 {strides = array<i32>} : memref<2x16xf32, #tpu.memory_space<vmem>>, vector<16xf32>,
    %swap3A_155 = arith.constant 1 : i32
    %swap3A_156 = arith.index_cast %swap3A_155 : i32 to index
    %swap3A_157 = arith.constant 0 : index
    %swap3A_158 = tpu.vector_load %arg8[%swap3A_156, %swap3A_157] {strides = array<i32>} : memref<2x16xf32, #tpu.memory_space<vmem>>, vector<16xf32>,
    tpu.vector_store %arg8[%swap3A_156, %swap3A_157], %scan3A_150#1 {strides = array<i32>} : memref<2x16xf32, #tpu.memory_space<vmem>>, vector<16xf32>,
    "tpu.region"() ({
      %run_scoped3A = tpu.sem_alloc : memref<!tpu.dma_semaphore, #tpu.memory_space<semaphore_mem>>
      %dma_start3A_161 = arith.constant 0 : i32
      %dma_start3A_162 = arith.constant 0 : i32
      %dma_start3A_163 = tpu.memref_slice %arg12[%arg1, %dma_start3A_161, %dma_start3A_162] : memref<16x2x16xf32, #tpu.memory_space<vmem_shared>> -> memref<1x2x16xf32, #tpu.memory_space<vmem_shared>>
      %dma_start3A_164 = tpu.memref_squeeze %dma_start3A_163 : memref<1x2x16xf32, #tpu.memory_space<vmem_shared>> -> memref<2x16xf32, #tpu.memory_space<vmem_shared>>
      %dma_start3A_165 = arith.constant 0 : i32
      %dma_start3A_166 = arith.constant 0 : i32
      %dma_start3A_167 = tpu.memref_slice %arg12[%arg1, %dma_start3A_165, %dma_start3A_166] : memref<16x2x16xf32, #tpu.memory_space<vmem_shared>> -> memref<1x2x16xf32, #tpu.memory_space<vmem_shared>>
      %dma_start3A_168 = tpu.memref_squeeze %dma_start3A_167 : memref<1x2x16xf32, #tpu.memory_space<vmem_shared>> -> memref<2x16xf32, #tpu.memory_space<vmem_shared>>
      tpu.enqueue_dma source(%arg8 : memref<2x16xf32, #tpu.memory_space<vmem>>) target(%dma_start3A_168 : memref<2x16xf32, #tpu.memory_space<vmem_shared>>) target_semaphore(%run_scoped3A : memref<!tpu.dma_semaphore, #tpu.memory_space<semaphore_mem>>)
      %dma_wait3A = arith.constant 0 : i32
      %dma_wait3A_169 = arith.constant 0 : i32
      %dma_wait3A_170 = tpu.memref_slice %arg12[%arg1, %dma_wait3A, %dma_wait3A_169] : memref<16x2x16xf32, #tpu.memory_space<vmem_shared>> -> memref<1x2x16xf32, #tpu.memory_space<vmem_shared>>
      %dma_wait3A_171 = tpu.memref_squeeze %dma_wait3A_170 : memref<1x2x16xf32, #tpu.memory_space<vmem_shared>> -> memref<2x16xf32, #tpu.memory_space<vmem_shared>>
      %dma_wait3A_172 = arith.constant 0 : i32
      %dma_wait3A_173 = arith.constant 0 : i32
      %dma_wait3A_174 = tpu.memref_slice %arg12[%arg1, %dma_wait3A_172, %dma_wait3A_173] : memref<16x2x16xf32, #tpu.memory_space<vmem_shared>> -> memref<1x2x16xf32, #tpu.memory_space<vmem_shared>>
      %dma_wait3A_175 = tpu.memref_squeeze %dma_wait3A_174 : memref<1x2x16xf32, #tpu.memory_space<vmem_shared>> -> memref<2x16xf32, #tpu.memory_space<vmem_shared>>
      tpu.wait_dma2 semaphore(%run_scoped3A : memref<!tpu.dma_semaphore, #tpu.memory_space<semaphore_mem>>) src(%arg8 : memref<2x16xf32, #tpu.memory_space<vmem>>) dst(%dma_wait3A_175 : memref<2x16xf32, #tpu.memory_space<vmem_shared>>)
      tpu.yield
    }) : () -> ()
    %barrier3A = arith.constant 0 : index
    tpu.barrier barrier_id(%barrier3A)
    %eq3A = arith.constant 0 : i32
    %eq3A_159 = arith.cmpi eq, %arg1, %eq3A : i32
    %convert_element_type3A = arith.extui %eq3A_159 : i1 to i32
    %cond3A = arith.constant 0 : i32
    %cond3A_160 = arith.cmpi ne, %convert_element_type3A, %cond3A : i32
    scf.if %cond3A_160 {
      "tpu.region"() ({
        %run_scoped3A = tpu.sem_alloc : memref<!tpu.dma_semaphore, #tpu.memory_space<semaphore_mem>>
        tpu.enqueue_dma source(%arg12 : memref<16x2x16xf32, #tpu.memory_space<vmem_shared>>) target(%arg9 : memref<16x2x16xf32, #tpu.memory_space<vmem>>) target_semaphore(%run_scoped3A : memref<!tpu.dma_semaphore, #tpu.memory_space<semaphore_mem>>)
        tpu.wait_dma2 semaphore(%run_scoped3A : memref<!tpu.dma_semaphore, #tpu.memory_space<semaphore_mem>>) src(%arg12 : memref<16x2x16xf32, #tpu.memory_space<vmem_shared>>) dst(%arg9 : memref<16x2x16xf32, #tpu.memory_space<vmem>>)
        tpu.yield
      }) : () -> ()
      %broadcast_in_dim3A_161 = arith.constant 0.000000e+00 : f32
      %broadcast_in_dim3A_162 = vector.broadcast %broadcast_in_dim3A_161 : f32 to vector<16xf32>
      %broadcast_in_dim3A_163 = arith.constant 0.000000e+00 : f32
      %broadcast_in_dim3A_164 = vector.broadcast %broadcast_in_dim3A_163 : f32 to vector<16xf32>
      %get3A = arith.constant 0 : i32
      %get3A_165 = arith.constant 0 : i32
      %get3A_166 = arith.index_cast %get3A : i32 to index
      %get3A_167 = arith.index_cast %get3A_165 : i32 to index
      %get3A_168 = arith.constant 0 : index
      %get3A_169 = tpu.vector_load %arg9[%get3A_166, %get3A_167, %get3A_168] {strides = array<i32>} : memref<16x2x16xf32, #tpu.memory_space<vmem>>, vector<16xf32>,
      %add3A_170 = arith.addf %broadcast_in_dim3A_162, %get3A_169 : vector<16xf32>
      %get3A_171 = arith.constant 0 : i32
      %get3A_172 = arith.constant 1 : i32
      %get3A_173 = arith.index_cast %get3A_171 : i32 to index
      %get3A_174 = arith.index_cast %get3A_172 : i32 to index
      %get3A_175 = arith.constant 0 : index
      %get3A_176 = tpu.vector_load %arg9[%get3A_173, %get3A_174, %get3A_175] {strides = array<i32>} : memref<16x2x16xf32, #tpu.memory_space<vmem>>, vector<16xf32>,
      %add3A_177 = arith.addf %broadcast_in_dim3A_164, %get3A_176 : vector<16xf32>
      %get3A_178 = arith.constant 1 : i32
      %get3A_179 = arith.constant 0 : i32
      %get3A_180 = arith.index_cast %get3A_178 : i32 to index
      %get3A_181 = arith.index_cast %get3A_179 : i32 to index
      %get3A_182 = arith.constant 0 : index
      %get3A_183 = tpu.vector_load %arg9[%get3A_180, %get3A_181, %get3A_182] {strides = array<i32>} : memref<16x2x16xf32, #tpu.memory_space<vmem>>, vector<16xf32>,
      %add3A_184 = arith.addf %add3A_170, %get3A_183 : vector<16xf32>
      %get3A_185 = arith.constant 1 : i32
      %get3A_186 = arith.constant 1 : i32
      %get3A_187 = arith.index_cast %get3A_185 : i32 to index
      %get3A_188 = arith.index_cast %get3A_186 : i32 to index
      %get3A_189 = arith.constant 0 : index
      %get3A_190 = tpu.vector_load %arg9[%get3A_187, %get3A_188, %get3A_189] {strides = array<i32>} : memref<16x2x16xf32, #tpu.memory_space<vmem>>, vector<16xf32>,
      %add3A_191 = arith.addf %add3A_177, %get3A_190 : vector<16xf32>
      %get3A_192 = arith.constant 2 : i32
      %get3A_193 = arith.constant 0 : i32
      %get3A_194 = arith.index_cast %get3A_192 : i32 to index
      %get3A_195 = arith.index_cast %get3A_193 : i32 to index
      %get3A_196 = arith.constant 0 : index
      %get3A_197 = tpu.vector_load %arg9[%get3A_194, %get3A_195, %get3A_196] {strides = array<i32>} : memref<16x2x16xf32, #tpu.memory_space<vmem>>, vector<16xf32>,
      %add3A_198 = arith.addf %add3A_184, %get3A_197 : vector<16xf32>
      %get3A_199 = arith.constant 2 : i32
      %get3A_200 = arith.constant 1 : i32
      %get3A_201 = arith.index_cast %get3A_199 : i32 to index
      %get3A_202 = arith.index_cast %get3A_200 : i32 to index
      %get3A_203 = arith.constant 0 : index
      %get3A_204 = tpu.vector_load %arg9[%get3A_201, %get3A_202, %get3A_203] {strides = array<i32>} : memref<16x2x16xf32, #tpu.memory_space<vmem>>, vector<16xf32>,
      %add3A_205 = arith.addf %add3A_191, %get3A_204 : vector<16xf32>
      %get3A_206 = arith.constant 3 : i32
      %get3A_207 = arith.constant 0 : i32
      %get3A_208 = arith.index_cast %get3A_206 : i32 to index
      %get3A_209 = arith.index_cast %get3A_207 : i32 to index
      %get3A_210 = arith.constant 0 : index
      %get3A_211 = tpu.vector_load %arg9[%get3A_208, %get3A_209, %get3A_210] {strides = array<i32>} : memref<16x2x16xf32, #tpu.memory_space<vmem>>, vector<16xf32>,
      %add3A_212 = arith.addf %add3A_198, %get3A_211 : vector<16xf32>
      %get3A_213 = arith.constant 3 : i32
      %get3A_214 = arith.constant 1 : i32
      %get3A_215 = arith.index_cast %get3A_213 : i32 to index
      %get3A_216 = arith.index_cast %get3A_214 : i32 to index
      %get3A_217 = arith.constant 0 : index
      %get3A_218 = tpu.vector_load %arg9[%get3A_215, %get3A_216, %get3A_217] {strides = array<i32>} : memref<16x2x16xf32, #tpu.memory_space<vmem>>, vector<16xf32>,
      %add3A_219 = arith.addf %add3A_205, %get3A_218 : vector<16xf32>
      %get3A_220 = arith.constant 4 : i32
      %get3A_221 = arith.constant 0 : i32
      %get3A_222 = arith.index_cast %get3A_220 : i32 to index
      %get3A_223 = arith.index_cast %get3A_221 : i32 to index
      %get3A_224 = arith.constant 0 : index
      %get3A_225 = tpu.vector_load %arg9[%get3A_222, %get3A_223, %get3A_224] {strides = array<i32>} : memref<16x2x16xf32, #tpu.memory_space<vmem>>, vector<16xf32>,
      %add3A_226 = arith.addf %add3A_212, %get3A_225 : vector<16xf32>
      %get3A_227 = arith.constant 4 : i32
      %get3A_228 = arith.constant 1 : i32
      %get3A_229 = arith.index_cast %get3A_227 : i32 to index
      %get3A_230 = arith.index_cast %get3A_228 : i32 to index
      %get3A_231 = arith.constant 0 : index
      %get3A_232 = tpu.vector_load %arg9[%get3A_229, %get3A_230, %get3A_231] {strides = array<i32>} : memref<16x2x16xf32, #tpu.memory_space<vmem>>, vector<16xf32>,
      %add3A_233 = arith.addf %add3A_219, %get3A_232 : vector<16xf32>
      %get3A_234 = arith.constant 5 : i32
      %get3A_235 = arith.constant 0 : i32
      %get3A_236 = arith.index_cast %get3A_234 : i32 to index
      %get3A_237 = arith.index_cast %get3A_235 : i32 to index
      %get3A_238 = arith.constant 0 : index
      %get3A_239 = tpu.vector_load %arg9[%get3A_236, %get3A_237, %get3A_238] {strides = array<i32>} : memref<16x2x16xf32, #tpu.memory_space<vmem>>, vector<16xf32>,
      %add3A_240 = arith.addf %add3A_226, %get3A_239 : vector<16xf32>
      %get3A_241 = arith.constant 5 : i32
      %get3A_242 = arith.constant 1 : i32
      %get3A_243 = arith.index_cast %get3A_241 : i32 to index
      %get3A_244 = arith.index_cast %get3A_242 : i32 to index
      %get3A_245 = arith.constant 0 : index
      %get3A_246 = tpu.vector_load %arg9[%get3A_243, %get3A_244, %get3A_245] {strides = array<i32>} : memref<16x2x16xf32, #tpu.memory_space<vmem>>, vector<16xf32>,
      %add3A_247 = arith.addf %add3A_233, %get3A_246 : vector<16xf32>
      %get3A_248 = arith.constant 6 : i32
      %get3A_249 = arith.constant 0 : i32
      %get3A_250 = arith.index_cast %get3A_248 : i32 to index
      %get3A_251 = arith.index_cast %get3A_249 : i32 to index
      %get3A_252 = arith.constant 0 : index
      %get3A_253 = tpu.vector_load %arg9[%get3A_250, %get3A_251, %get3A_252] {strides = array<i32>} : memref<16x2x16xf32, #tpu.memory_space<vmem>>, vector<16xf32>,
      %add3A_254 = arith.addf %add3A_240, %get3A_253 : vector<16xf32>
      %get3A_255 = arith.constant 6 : i32
      %get3A_256 = arith.constant 1 : i32
      %get3A_257 = arith.index_cast %get3A_255 : i32 to index
      %get3A_258 = arith.index_cast %get3A_256 : i32 to index
      %get3A_259 = arith.constant 0 : index
      %get3A_260 = tpu.vector_load %arg9[%get3A_257, %get3A_258, %get3A_259] {strides = array<i32>} : memref<16x2x16xf32, #tpu.memory_space<vmem>>, vector<16xf32>,
      %add3A_261 = arith.addf %add3A_247, %get3A_260 : vector<16xf32>
      %get3A_262 = arith.constant 7 : i32
      %get3A_263 = arith.constant 0 : i32
      %get3A_264 = arith.index_cast %get3A_262 : i32 to index
      %get3A_265 = arith.index_cast %get3A_263 : i32 to index
      %get3A_266 = arith.constant 0 : index
      %get3A_267 = tpu.vector_load %arg9[%get3A_264, %get3A_265, %get3A_266] {strides = array<i32>} : memref<16x2x16xf32, #tpu.memory_space<vmem>>, vector<16xf32>,
      %add3A_268 = arith.addf %add3A_254, %get3A_267 : vector<16xf32>
      %get3A_269 = arith.constant 7 : i32
      %get3A_270 = arith.constant 1 : i32
      %get3A_271 = arith.index_cast %get3A_269 : i32 to index
      %get3A_272 = arith.index_cast %get3A_270 : i32 to index
      %get3A_273 = arith.constant 0 : index
      %get3A_274 = tpu.vector_load %arg9[%get3A_271, %get3A_272, %get3A_273] {strides = array<i32>} : memref<16x2x16xf32, #tpu.memory_space<vmem>>, vector<16xf32>,
      %add3A_275 = arith.addf %add3A_261, %get3A_274 : vector<16xf32>
      %get3A_276 = arith.constant 8 : i32
      %get3A_277 = arith.constant 0 : i32
      %get3A_278 = arith.index_cast %get3A_276 : i32 to index
      %get3A_279 = arith.index_cast %get3A_277 : i32 to index
      %get3A_280 = arith.constant 0 : index
      %get3A_281 = tpu.vector_load %arg9[%get3A_278, %get3A_279, %get3A_280] {strides = array<i32>} : memref<16x2x16xf32, #tpu.memory_space<vmem>>, vector<16xf32>,
      %add3A_282 = arith.addf %add3A_268, %get3A_281 : vector<16xf32>
      %get3A_283 = arith.constant 8 : i32
      %get3A_284 = arith.constant 1 : i32
      %get3A_285 = arith.index_cast %get3A_283 : i32 to index
      %get3A_286 = arith.index_cast %get3A_284 : i32 to index
      %get3A_287 = arith.constant 0 : index
      %get3A_288 = tpu.vector_load %arg9[%get3A_285, %get3A_286, %get3A_287] {strides = array<i32>} : memref<16x2x16xf32, #tpu.memory_space<vmem>>, vector<16xf32>,
      %add3A_289 = arith.addf %add3A_275, %get3A_288 : vector<16xf32>
      %get3A_290 = arith.constant 9 : i32
      %get3A_291 = arith.constant 0 : i32
      %get3A_292 = arith.index_cast %get3A_290 : i32 to index
      %get3A_293 = arith.index_cast %get3A_291 : i32 to index
      %get3A_294 = arith.constant 0 : index
      %get3A_295 = tpu.vector_load %arg9[%get3A_292, %get3A_293, %get3A_294] {strides = array<i32>} : memref<16x2x16xf32, #tpu.memory_space<vmem>>, vector<16xf32>,
      %add3A_296 = arith.addf %add3A_282, %get3A_295 : vector<16xf32>
      %get3A_297 = arith.constant 9 : i32
      %get3A_298 = arith.constant 1 : i32
      %get3A_299 = arith.index_cast %get3A_297 : i32 to index
      %get3A_300 = arith.index_cast %get3A_298 : i32 to index
      %get3A_301 = arith.constant 0 : index
      %get3A_302 = tpu.vector_load %arg9[%get3A_299, %get3A_300, %get3A_301] {strides = array<i32>} : memref<16x2x16xf32, #tpu.memory_space<vmem>>, vector<16xf32>,
      %add3A_303 = arith.addf %add3A_289, %get3A_302 : vector<16xf32>
      %get3A_304 = arith.constant 10 : i32
      %get3A_305 = arith.constant 0 : i32
      %get3A_306 = arith.index_cast %get3A_304 : i32 to index
      %get3A_307 = arith.index_cast %get3A_305 : i32 to index
      %get3A_308 = arith.constant 0 : index
      %get3A_309 = tpu.vector_load %arg9[%get3A_306, %get3A_307, %get3A_308] {strides = array<i32>} : memref<16x2x16xf32, #tpu.memory_space<vmem>>, vector<16xf32>,
      %add3A_310 = arith.addf %add3A_296, %get3A_309 : vector<16xf32>
      %get3A_311 = arith.constant 10 : i32
      %get3A_312 = arith.constant 1 : i32
      %get3A_313 = arith.index_cast %get3A_311 : i32 to index
      %get3A_314 = arith.index_cast %get3A_312 : i32 to index
      %get3A_315 = arith.constant 0 : index
      %get3A_316 = tpu.vector_load %arg9[%get3A_313, %get3A_314, %get3A_315] {strides = array<i32>} : memref<16x2x16xf32, #tpu.memory_space<vmem>>, vector<16xf32>,
      %add3A_317 = arith.addf %add3A_303, %get3A_316 : vector<16xf32>
      %get3A_318 = arith.constant 11 : i32
      %get3A_319 = arith.constant 0 : i32
      %get3A_320 = arith.index_cast %get3A_318 : i32 to index
      %get3A_321 = arith.index_cast %get3A_319 : i32 to index
      %get3A_322 = arith.constant 0 : index
      %get3A_323 = tpu.vector_load %arg9[%get3A_320, %get3A_321, %get3A_322] {strides = array<i32>} : memref<16x2x16xf32, #tpu.memory_space<vmem>>, vector<16xf32>,
      %add3A_324 = arith.addf %add3A_310, %get3A_323 : vector<16xf32>
      %get3A_325 = arith.constant 11 : i32
      %get3A_326 = arith.constant 1 : i32
      %get3A_327 = arith.index_cast %get3A_325 : i32 to index
      %get3A_328 = arith.index_cast %get3A_326 : i32 to index
      %get3A_329 = arith.constant 0 : index
      %get3A_330 = tpu.vector_load %arg9[%get3A_327, %get3A_328, %get3A_329] {strides = array<i32>} : memref<16x2x16xf32, #tpu.memory_space<vmem>>, vector<16xf32>,
      %add3A_331 = arith.addf %add3A_317, %get3A_330 : vector<16xf32>
      %get3A_332 = arith.constant 12 : i32
      %get3A_333 = arith.constant 0 : i32
      %get3A_334 = arith.index_cast %get3A_332 : i32 to index
      %get3A_335 = arith.index_cast %get3A_333 : i32 to index
      %get3A_336 = arith.constant 0 : index
      %get3A_337 = tpu.vector_load %arg9[%get3A_334, %get3A_335, %get3A_336] {strides = array<i32>} : memref<16x2x16xf32, #tpu.memory_space<vmem>>, vector<16xf32>,
      %add3A_338 = arith.addf %add3A_324, %get3A_337 : vector<16xf32>
      %get3A_339 = arith.constant 12 : i32
      %get3A_340 = arith.constant 1 : i32
      %get3A_341 = arith.index_cast %get3A_339 : i32 to index
      %get3A_342 = arith.index_cast %get3A_340 : i32 to index
      %get3A_343 = arith.constant 0 : index
      %get3A_344 = tpu.vector_load %arg9[%get3A_341, %get3A_342, %get3A_343] {strides = array<i32>} : memref<16x2x16xf32, #tpu.memory_space<vmem>>, vector<16xf32>,
      %add3A_345 = arith.addf %add3A_331, %get3A_344 : vector<16xf32>
      %get3A_346 = arith.constant 13 : i32
      %get3A_347 = arith.constant 0 : i32
      %get3A_348 = arith.index_cast %get3A_346 : i32 to index
      %get3A_349 = arith.index_cast %get3A_347 : i32 to index
      %get3A_350 = arith.constant 0 : index
      %get3A_351 = tpu.vector_load %arg9[%get3A_348, %get3A_349, %get3A_350] {strides = array<i32>} : memref<16x2x16xf32, #tpu.memory_space<vmem>>, vector<16xf32>,
      %add3A_352 = arith.addf %add3A_338, %get3A_351 : vector<16xf32>
      %get3A_353 = arith.constant 13 : i32
      %get3A_354 = arith.constant 1 : i32
      %get3A_355 = arith.index_cast %get3A_353 : i32 to index
      %get3A_356 = arith.index_cast %get3A_354 : i32 to index
      %get3A_357 = arith.constant 0 : index
      %get3A_358 = tpu.vector_load %arg9[%get3A_355, %get3A_356, %get3A_357] {strides = array<i32>} : memref<16x2x16xf32, #tpu.memory_space<vmem>>, vector<16xf32>,
      %add3A_359 = arith.addf %add3A_345, %get3A_358 : vector<16xf32>
      %get3A_360 = arith.constant 14 : i32
      %get3A_361 = arith.constant 0 : i32
      %get3A_362 = arith.index_cast %get3A_360 : i32 to index
      %get3A_363 = arith.index_cast %get3A_361 : i32 to index
      %get3A_364 = arith.constant 0 : index
      %get3A_365 = tpu.vector_load %arg9[%get3A_362, %get3A_363, %get3A_364] {strides = array<i32>} : memref<16x2x16xf32, #tpu.memory_space<vmem>>, vector<16xf32>,
      %add3A_366 = arith.addf %add3A_352, %get3A_365 : vector<16xf32>
      %get3A_367 = arith.constant 14 : i32
      %get3A_368 = arith.constant 1 : i32
      %get3A_369 = arith.index_cast %get3A_367 : i32 to index
      %get3A_370 = arith.index_cast %get3A_368 : i32 to index
      %get3A_371 = arith.constant 0 : index
      %get3A_372 = tpu.vector_load %arg9[%get3A_369, %get3A_370, %get3A_371] {strides = array<i32>} : memref<16x2x16xf32, #tpu.memory_space<vmem>>, vector<16xf32>,
      %add3A_373 = arith.addf %add3A_359, %get3A_372 : vector<16xf32>
      %get3A_374 = arith.constant 15 : i32
      %get3A_375 = arith.constant 0 : i32
      %get3A_376 = arith.index_cast %get3A_374 : i32 to index
      %get3A_377 = arith.index_cast %get3A_375 : i32 to index
      %get3A_378 = arith.constant 0 : index
      %get3A_379 = tpu.vector_load %arg9[%get3A_376, %get3A_377, %get3A_378] {strides = array<i32>} : memref<16x2x16xf32, #tpu.memory_space<vmem>>, vector<16xf32>,
      %add3A_380 = arith.addf %add3A_366, %get3A_379 : vector<16xf32>
      %get3A_381 = arith.constant 15 : i32
      %get3A_382 = arith.constant 1 : i32
      %get3A_383 = arith.index_cast %get3A_381 : i32 to index
      %get3A_384 = arith.index_cast %get3A_382 : i32 to index
      %get3A_385 = arith.constant 0 : index
      %get3A_386 = tpu.vector_load %arg9[%get3A_383, %get3A_384, %get3A_385] {strides = array<i32>} : memref<16x2x16xf32, #tpu.memory_space<vmem>>, vector<16xf32>,
      %add3A_387 = arith.addf %add3A_373, %get3A_386 : vector<16xf32>
      %slice3A = vector.extract_strided_slice %add3A_380 {offsets = [0], sizes = [1], strides = [1]} : vector<16xf32> to vector<1xf32>
      %squeeze3A = vector.extract %slice3A[0] : f32 from vector<1xf32>
      %slice3A_388 = vector.extract_strided_slice %add3A_387 {offsets = [0], sizes = [1], strides = [1]} : vector<16xf32> to vector<1xf32>
      %squeeze3A_389 = vector.extract %slice3A_388[0] : f32 from vector<1xf32>
      %slice3A_390 = vector.extract_strided_slice %add3A_380 {offsets = [1], sizes = [1], strides = [1]} : vector<16xf32> to vector<1xf32>
      %squeeze3A_391 = vector.extract %slice3A_390[0] : f32 from vector<1xf32>
      %add3A_392 = arith.addf %squeeze3A, %squeeze3A_391 : f32
      %slice3A_393 = vector.extract_strided_slice %add3A_387 {offsets = [1], sizes = [1], strides = [1]} : vector<16xf32> to vector<1xf32>
      %squeeze3A_394 = vector.extract %slice3A_393[0] : f32 from vector<1xf32>
      %add3A_395 = arith.addf %squeeze3A_389, %squeeze3A_394 : f32
      %slice3A_396 = vector.extract_strided_slice %add3A_380 {offsets = [2], sizes = [1], strides = [1]} : vector<16xf32> to vector<1xf32>
      %squeeze3A_397 = vector.extract %slice3A_396[0] : f32 from vector<1xf32>
      %add3A_398 = arith.addf %add3A_392, %squeeze3A_397 : f32
      %slice3A_399 = vector.extract_strided_slice %add3A_387 {offsets = [2], sizes = [1], strides = [1]} : vector<16xf32> to vector<1xf32>
      %squeeze3A_400 = vector.extract %slice3A_399[0] : f32 from vector<1xf32>
      %add3A_401 = arith.addf %add3A_395, %squeeze3A_400 : f32
      %slice3A_402 = vector.extract_strided_slice %add3A_380 {offsets = [3], sizes = [1], strides = [1]} : vector<16xf32> to vector<1xf32>
      %squeeze3A_403 = vector.extract %slice3A_402[0] : f32 from vector<1xf32>
      %add3A_404 = arith.addf %add3A_398, %squeeze3A_403 : f32
      %slice3A_405 = vector.extract_strided_slice %add3A_387 {offsets = [3], sizes = [1], strides = [1]} : vector<16xf32> to vector<1xf32>
      %squeeze3A_406 = vector.extract %slice3A_405[0] : f32 from vector<1xf32>
      %add3A_407 = arith.addf %add3A_401, %squeeze3A_406 : f32
      %slice3A_408 = vector.extract_strided_slice %add3A_380 {offsets = [4], sizes = [1], strides = [1]} : vector<16xf32> to vector<1xf32>
      %squeeze3A_409 = vector.extract %slice3A_408[0] : f32 from vector<1xf32>
      %add3A_410 = arith.addf %add3A_404, %squeeze3A_409 : f32
      %slice3A_411 = vector.extract_strided_slice %add3A_387 {offsets = [4], sizes = [1], strides = [1]} : vector<16xf32> to vector<1xf32>
      %squeeze3A_412 = vector.extract %slice3A_411[0] : f32 from vector<1xf32>
      %add3A_413 = arith.addf %add3A_407, %squeeze3A_412 : f32
      %slice3A_414 = vector.extract_strided_slice %add3A_380 {offsets = [5], sizes = [1], strides = [1]} : vector<16xf32> to vector<1xf32>
      %squeeze3A_415 = vector.extract %slice3A_414[0] : f32 from vector<1xf32>
      %add3A_416 = arith.addf %add3A_410, %squeeze3A_415 : f32
      %slice3A_417 = vector.extract_strided_slice %add3A_387 {offsets = [5], sizes = [1], strides = [1]} : vector<16xf32> to vector<1xf32>
      %squeeze3A_418 = vector.extract %slice3A_417[0] : f32 from vector<1xf32>
      %add3A_419 = arith.addf %add3A_413, %squeeze3A_418 : f32
      %slice3A_420 = vector.extract_strided_slice %add3A_380 {offsets = [6], sizes = [1], strides = [1]} : vector<16xf32> to vector<1xf32>
      %squeeze3A_421 = vector.extract %slice3A_420[0] : f32 from vector<1xf32>
      %add3A_422 = arith.addf %add3A_416, %squeeze3A_421 : f32
      %slice3A_423 = vector.extract_strided_slice %add3A_387 {offsets = [6], sizes = [1], strides = [1]} : vector<16xf32> to vector<1xf32>
      %squeeze3A_424 = vector.extract %slice3A_423[0] : f32 from vector<1xf32>
      %add3A_425 = arith.addf %add3A_419, %squeeze3A_424 : f32
      %slice3A_426 = vector.extract_strided_slice %add3A_380 {offsets = [7], sizes = [1], strides = [1]} : vector<16xf32> to vector<1xf32>
      %squeeze3A_427 = vector.extract %slice3A_426[0] : f32 from vector<1xf32>
      %add3A_428 = arith.addf %add3A_422, %squeeze3A_427 : f32
      %slice3A_429 = vector.extract_strided_slice %add3A_387 {offsets = [7], sizes = [1], strides = [1]} : vector<16xf32> to vector<1xf32>
      %squeeze3A_430 = vector.extract %slice3A_429[0] : f32 from vector<1xf32>
      %add3A_431 = arith.addf %add3A_425, %squeeze3A_430 : f32
      %slice3A_432 = vector.extract_strided_slice %add3A_380 {offsets = [8], sizes = [1], strides = [1]} : vector<16xf32> to vector<1xf32>
      %squeeze3A_433 = vector.extract %slice3A_432[0] : f32 from vector<1xf32>
      %add3A_434 = arith.addf %add3A_428, %squeeze3A_433 : f32
      %slice3A_435 = vector.extract_strided_slice %add3A_387 {offsets = [8], sizes = [1], strides = [1]} : vector<16xf32> to vector<1xf32>
      %squeeze3A_436 = vector.extract %slice3A_435[0] : f32 from vector<1xf32>
      %add3A_437 = arith.addf %add3A_431, %squeeze3A_436 : f32
      %slice3A_438 = vector.extract_strided_slice %add3A_380 {offsets = [9], sizes = [1], strides = [1]} : vector<16xf32> to vector<1xf32>
      %squeeze3A_439 = vector.extract %slice3A_438[0] : f32 from vector<1xf32>
      %add3A_440 = arith.addf %add3A_434, %squeeze3A_439 : f32
      %slice3A_441 = vector.extract_strided_slice %add3A_387 {offsets = [9], sizes = [1], strides = [1]} : vector<16xf32> to vector<1xf32>
      %squeeze3A_442 = vector.extract %slice3A_441[0] : f32 from vector<1xf32>
      %add3A_443 = arith.addf %add3A_437, %squeeze3A_442 : f32
      %slice3A_444 = vector.extract_strided_slice %add3A_380 {offsets = [10], sizes = [1], strides = [1]} : vector<16xf32> to vector<1xf32>
      %squeeze3A_445 = vector.extract %slice3A_444[0] : f32 from vector<1xf32>
      %add3A_446 = arith.addf %add3A_440, %squeeze3A_445 : f32
      %slice3A_447 = vector.extract_strided_slice %add3A_387 {offsets = [10], sizes = [1], strides = [1]} : vector<16xf32> to vector<1xf32>
      %squeeze3A_448 = vector.extract %slice3A_447[0] : f32 from vector<1xf32>
      %add3A_449 = arith.addf %add3A_443, %squeeze3A_448 : f32
      %slice3A_450 = vector.extract_strided_slice %add3A_380 {offsets = [11], sizes = [1], strides = [1]} : vector<16xf32> to vector<1xf32>
      %squeeze3A_451 = vector.extract %slice3A_450[0] : f32 from vector<1xf32>
      %add3A_452 = arith.addf %add3A_446, %squeeze3A_451 : f32
      %slice3A_453 = vector.extract_strided_slice %add3A_387 {offsets = [11], sizes = [1], strides = [1]} : vector<16xf32> to vector<1xf32>
      %squeeze3A_454 = vector.extract %slice3A_453[0] : f32 from vector<1xf32>
      %add3A_455 = arith.addf %add3A_449, %squeeze3A_454 : f32
      %slice3A_456 = vector.extract_strided_slice %add3A_380 {offsets = [12], sizes = [1], strides = [1]} : vector<16xf32> to vector<1xf32>
      %squeeze3A_457 = vector.extract %slice3A_456[0] : f32 from vector<1xf32>
      %add3A_458 = arith.addf %add3A_452, %squeeze3A_457 : f32
      %slice3A_459 = vector.extract_strided_slice %add3A_387 {offsets = [12], sizes = [1], strides = [1]} : vector<16xf32> to vector<1xf32>
      %squeeze3A_460 = vector.extract %slice3A_459[0] : f32 from vector<1xf32>
      %add3A_461 = arith.addf %add3A_455, %squeeze3A_460 : f32
      %slice3A_462 = vector.extract_strided_slice %add3A_380 {offsets = [13], sizes = [1], strides = [1]} : vector<16xf32> to vector<1xf32>
      %squeeze3A_463 = vector.extract %slice3A_462[0] : f32 from vector<1xf32>
      %add3A_464 = arith.addf %add3A_458, %squeeze3A_463 : f32
      %slice3A_465 = vector.extract_strided_slice %add3A_387 {offsets = [13], sizes = [1], strides = [1]} : vector<16xf32> to vector<1xf32>
      %squeeze3A_466 = vector.extract %slice3A_465[0] : f32 from vector<1xf32>
      %add3A_467 = arith.addf %add3A_461, %squeeze3A_466 : f32
      %slice3A_468 = vector.extract_strided_slice %add3A_380 {offsets = [14], sizes = [1], strides = [1]} : vector<16xf32> to vector<1xf32>
      %squeeze3A_469 = vector.extract %slice3A_468[0] : f32 from vector<1xf32>
      %add3A_470 = arith.addf %add3A_464, %squeeze3A_469 : f32
      %slice3A_471 = vector.extract_strided_slice %add3A_387 {offsets = [14], sizes = [1], strides = [1]} : vector<16xf32> to vector<1xf32>
      %squeeze3A_472 = vector.extract %slice3A_471[0] : f32 from vector<1xf32>
      %add3A_473 = arith.addf %add3A_467, %squeeze3A_472 : f32
      %slice3A_474 = vector.extract_strided_slice %add3A_380 {offsets = [15], sizes = [1], strides = [1]} : vector<16xf32> to vector<1xf32>
      %squeeze3A_475 = vector.extract %slice3A_474[0] : f32 from vector<1xf32>
      %add3A_476 = arith.addf %add3A_470, %squeeze3A_475 : f32
      %slice3A_477 = vector.extract_strided_slice %add3A_387 {offsets = [15], sizes = [1], strides = [1]} : vector<16xf32> to vector<1xf32>
      %squeeze3A_478 = vector.extract %slice3A_477[0] : f32 from vector<1xf32>
      %add3A_479 = arith.addf %add3A_473, %squeeze3A_478 : f32
      %broadcast_in_dim3A_480 = vector.broadcast %add3A_476 : f32 to vector<16xf32>
      %swap3A_481 = arith.constant 0 : index
      %swap3A_482 = tpu.vector_load %arg10[%swap3A_481] {strides = array<i32>} : memref<16xf32, #tpu.memory_space<vmem>>, vector<16xf32>,
      tpu.vector_store %arg10[%swap3A_481], %broadcast_in_dim3A_480 {strides = array<i32>} : memref<16xf32, #tpu.memory_space<vmem>>, vector<16xf32>,
      "tpu.region"() ({
        %run_scoped3A = tpu.sem_alloc : memref<!tpu.dma_semaphore, #tpu.memory_space<semaphore_mem>>
        %dma_start3A_486 = arith.constant 0 : i32
        %dma_start3A_487 = tpu.memref_slice %arg4[%arg0, %dma_start3A_486] : memref<2x16xf32, #tpu.memory_space<hbm>> -> memref<1x16xf32, #tpu.memory_space<hbm>>
        %dma_start3A_488 = tpu.memref_squeeze %dma_start3A_487 : memref<1x16xf32, #tpu.memory_space<hbm>> -> memref<16xf32, #tpu.memory_space<hbm>>
        %dma_start3A_489 = arith.constant 0 : i32
        %dma_start3A_490 = tpu.memref_slice %arg4[%arg0, %dma_start3A_489] : memref<2x16xf32, #tpu.memory_space<hbm>> -> memref<1x16xf32, #tpu.memory_space<hbm>>
        %dma_start3A_491 = tpu.memref_squeeze %dma_start3A_490 : memref<1x16xf32, #tpu.memory_space<hbm>> -> memref<16xf32, #tpu.memory_space<hbm>>
        tpu.enqueue_dma source(%arg10 : memref<16xf32, #tpu.memory_space<vmem>>) target(%dma_start3A_491 : memref<16xf32, #tpu.memory_space<hbm>>) target_semaphore(%run_scoped3A : memref<!tpu.dma_semaphore, #tpu.memory_space<semaphore_mem>>)
        %dma_wait3A = arith.constant 0 : i32
        %dma_wait3A_492 = tpu.memref_slice %arg4[%arg0, %dma_wait3A] : memref<2x16xf32, #tpu.memory_space<hbm>> -> memref<1x16xf32, #tpu.memory_space<hbm>>
        %dma_wait3A_493 = tpu.memref_squeeze %dma_wait3A_492 : memref<1x16xf32, #tpu.memory_space<hbm>> -> memref<16xf32, #tpu.memory_space<hbm>>
        %dma_wait3A_494 = arith.constant 0 : i32
        %dma_wait3A_495 = tpu.memref_slice %arg4[%arg0, %dma_wait3A_494] : memref<2x16xf32, #tpu.memory_space<hbm>> -> memref<1x16xf32, #tpu.memory_space<hbm>>
        %dma_wait3A_496 = tpu.memref_squeeze %dma_wait3A_495 : memref<1x16xf32, #tpu.memory_space<hbm>> -> memref<16xf32, #tpu.memory_space<hbm>>
        tpu.wait_dma2 semaphore(%run_scoped3A : memref<!tpu.dma_semaphore, #tpu.memory_space<semaphore_mem>>) src(%arg10 : memref<16xf32, #tpu.memory_space<vmem>>) dst(%dma_wait3A_496 : memref<16xf32, #tpu.memory_space<hbm>>)
        tpu.yield
      }) : () -> ()
      %broadcast_in_dim3A_483 = vector.broadcast %add3A_479 : f32 to vector<16xf32>
      %swap3A_484 = arith.constant 0 : index
      %swap3A_485 = tpu.vector_load %arg11[%swap3A_484] {strides = array<i32>} : memref<16xf32, #tpu.memory_space<vmem>>, vector<16xf32>,
      tpu.vector_store %arg11[%swap3A_484], %broadcast_in_dim3A_483 {strides = array<i32>} : memref<16xf32, #tpu.memory_space<vmem>>, vector<16xf32>,
      "tpu.region"() ({
        %run_scoped3A = tpu.sem_alloc : memref<!tpu.dma_semaphore, #tpu.memory_space<semaphore_mem>>
        %dma_start3A_486 = arith.constant 0 : i32
        %dma_start3A_487 = tpu.memref_slice %arg5[%arg0, %dma_start3A_486] : memref<2x16xf32, #tpu.memory_space<hbm>> -> memref<1x16xf32, #tpu.memory_space<hbm>>
        %dma_start3A_488 = tpu.memref_squeeze %dma_start3A_487 : memref<1x16xf32, #tpu.memory_space<hbm>> -> memref<16xf32, #tpu.memory_space<hbm>>
        %dma_start3A_489 = arith.constant 0 : i32
        %dma_start3A_490 = tpu.memref_slice %arg5[%arg0, %dma_start3A_489] : memref<2x16xf32, #tpu.memory_space<hbm>> -> memref<1x16xf32, #tpu.memory_space<hbm>>
        %dma_start3A_491 = tpu.memref_squeeze %dma_start3A_490 : memref<1x16xf32, #tpu.memory_space<hbm>> -> memref<16xf32, #tpu.memory_space<hbm>>
        tpu.enqueue_dma source(%arg11 : memref<16xf32, #tpu.memory_space<vmem>>) target(%dma_start3A_491 : memref<16xf32, #tpu.memory_space<hbm>>) target_semaphore(%run_scoped3A : memref<!tpu.dma_semaphore, #tpu.memory_space<semaphore_mem>>)
        %dma_wait3A = arith.constant 0 : i32
        %dma_wait3A_492 = tpu.memref_slice %arg5[%arg0, %dma_wait3A] : memref<2x16xf32, #tpu.memory_space<hbm>> -> memref<1x16xf32, #tpu.memory_space<hbm>>
        %dma_wait3A_493 = tpu.memref_squeeze %dma_wait3A_492 : memref<1x16xf32, #tpu.memory_space<hbm>> -> memref<16xf32, #tpu.memory_space<hbm>>
        %dma_wait3A_494 = arith.constant 0 : i32
        %dma_wait3A_495 = tpu.memref_slice %arg5[%arg0, %dma_wait3A_494] : memref<2x16xf32, #tpu.memory_space<hbm>> -> memref<1x16xf32, #tpu.memory_space<hbm>>
        %dma_wait3A_496 = tpu.memref_squeeze %dma_wait3A_495 : memref<1x16xf32, #tpu.memory_space<hbm>> -> memref<16xf32, #tpu.memory_space<hbm>>
        tpu.wait_dma2 semaphore(%run_scoped3A : memref<!tpu.dma_semaphore, #tpu.memory_space<semaphore_mem>>) src(%arg11 : memref<16xf32, #tpu.memory_space<vmem>>) dst(%dma_wait3A_496 : memref<16xf32, #tpu.memory_space<hbm>>)
        tpu.yield
      }) : () -> ()
    } else {
    }
    return
  }
}

</mosaic_0001>

<sc_bundles>
// kernel: kernel.3.cloned.1.call-start
scs
__scs_entry_jumppad:
0x0: {  	(pc) =	sbr.rel $0x88, $3  }
0x1: {  	(tag) =	ssettag $0x0;
	lr =	simm.s32 $0x1  }
0x2: {  	[smem:$0x3F9F] =	sst lr;
	_ =	strace $0xD0000000  }
0x3: {  	_ = 	snop  }
0x4: {  	_ = 	snop  }
0x5: {  	_ = 	snop  }
0x6: {  	_ = 	snop  }
0x7: {  	_ = 	snop  }
__scs_overlays_trampoline_lowered:
0x8: {  	[smem:$0x3FAE] =	sst s0  }
0x9: {  	[smem:$0x3FAF] =	sst s1  }
0xa: {  	[smem:$0x3FB0] =	sst s2  }
0xb: {  	[smem:$0x3FB1] =	sst s3  }
0xc: {  	[smem:$0x3FB2] =	sst s4  }
0xd: {  	[smem:$0x3FB3] =	sst s5  }
0xe: {  	[smem:$0x3FB4] =	sst s6  }
0xf: {  	[smem:$0x3FB5] =	sst s7  }
0x10: {  	[smem:$0x3FB6] =	sst s8  }
0x11: {  	[smem:$0x3FB7] =	sst s9;
	s0 =	simm.s32 @!p0 $0x0  }
0x12: {  	s1 =	sld [smem:$0x3F9D];
	s0 =	simm.s32 @p0 $0x1  }
0x13: {  	[smem:$0x3FB8] =	sst s0;
	s0 =	simm.s32 @!p1 $0x0  }
0x14: {  	s2 =	sld [smem:$0x3F9C];
	s0 =	simm.s32 @p1 $0x1  }
0x15: {  	[smem:$0x3FB9] =	sst s0;
	s0 =	simm.s32 @!p2 $0x0  }
0x16: {  	s3 =	sld [smem:$0x3FDB];
	s0 =	simm.s32 @p2 $0x1  }
0x17: {  	s4 =	simm.s32 $0x1BF5;
	[smem:$0x3FBB] =	sst s0  }
0x18: {  	s0 =	sld [smem:$0x3F9E];
	_ =	swait.ge [sflag:s4], $0x0  }
0x19: {  	s7 =	sld [smem:$0x3F9F]  }
0x1a: {  	s8 =	sadd.s32 $0xFFFFE003, lr  }
0x1b: {  	s9 =	sadd.s32 $0xFFFFFEF7, lr;
	s5 =	simm.s32 $0xFFFFFFFF;
	p2 =	slt.u32 s8, $0xFFFFF086  }
0x1c: {  	p1 =	slt.u32 s9, $0xF7A;
	s5 =	simm.s32 @!p2 $0x0  }
0x1d: {  	s5 =	simm.s32 @p1 $0x1;
	p0 =	seq.s32 s7, s2  }
0x1e: {  	s7 =	smul.u32 @!p0 $0xF7A, s2;
	p2 =	seq.s32 @!p0 s5, $0x0  }
0x1f: {  	s9 =	smul.u32 $0xF7A, s1;
	s8 =	simm.s32 @!p0 $0x1BF5;
	p2 =	por !p2, p0  }
0x20: {  	[sflag:s8] =	ssyncset.s32 @!p0 $0xFFFFF086;
	s6 =	sadd.s32 @!p0 s3, s7;
	s7 =	simm.s32 @!p0 $0x108  }
0x21: {  	s3 =	sadd.s32 s3, s9;
	s6 =	sadd.s32 @!p0 $0x88, s6;
	s7 =	simm.s32 @p2 $0x1082  }
0x22: {  	[simem:s7], [sflag:s8] =	dma.local @!p0 [hbm:s6], $0xF7A  }
0x23: {  	s9 =	sor.u32 $0xD0000000, s2;
	s6 =	simm.s32 $0x108;
	_ =	swait.ge @!p0 [sflag:s8], $0x0  }
0x24: {  	s3 =	sadd.s32 $0x88, s3;
	s6 =	simm.s32 @!p1 $0x1082;
	[sflag:s4] =	ssyncset.s32 $0xFFFFF086  }
0x25: {  	[simem:s6], [sflag:s4] =	dma.local [hbm:s3], $0xF7A  }
0x26: {  	[smem:$0x3F9F] =	sst s1;
	(tag) =	ssettag s2;
	_ =	strace s9  }
0x27: {  	s1 =	sld [smem:$0x3FAF]  }
0x28: {  	s2 =	sld [smem:$0x3FB0]  }
0x29: {  	s4 =	sld [smem:$0x3FB2]  }
0x2a: {  	p0 =	seq.s32 s5, $0x0;
	s5 =	sld [smem:$0x3FB3]  }
0x2b: {  	s6 =	sld [smem:$0x3FB4]  }
0x2c: {  	s7 =	sld [smem:$0x3FB5]  }
0x2d: {  	s3 =	simm.s32 $0x108;
	s8 =	sld [smem:$0x3FB6]  }
0x2e: {  	s3 =	simm.s32 @!p0 $0x1082;
	s9 =	sld [smem:$0x3FB7]  }
0x2f: {  	lr =	sadd.s32 s0, s3;
	s0 =	sld [smem:$0x3FAE]  }
0x30: {  	s3 =	sld [smem:$0x3FB1]  }
0x31: {  	[smem:$0x3FBA] =	sst s10  }
0x32: {  	s10 =	sld [smem:$0x3FB8];
	_ =	sdelay $0x3  }
0x33: {  	p0 =	seq.s32 s10, $0x1;
	s10 =	sld [smem:$0x3FBA];
	_ =	sdelay $0x3  }
0x34: {  	[smem:$0x3FBA] =	sst s10  }
0x35: {  	s10 =	sld [smem:$0x3FB9];
	_ =	sdelay $0x3  }
0x36: {  	p1 =	seq.s32 s10, $0x1;
	s10 =	sld [smem:$0x3FBA];
	_ =	sdelay $0x3  }
0x37: {  	[smem:$0x3FBA] =	sst s10  }
0x38: {  	s10 =	sld [smem:$0x3FBB]  }
0x39: {  	_ = 	snop;
	(pc) =	sbr.ind lr, $3  }
0x3a: {  	_ = 	snop  }
0x3b: {  	_ = 	snop  }
0x3c: {  	p2 =	seq.s32 s10, $0x1;
	s10 =	sld [smem:$0x3FBA]  }
0x3d: {  	_ =	shalt  }
0x3e: {  	_ =	shalt  }
0x3f: {  	_ =	shalt  }
0x40: {  	_ =	shalt  }
0x41: {  	_ =	shalt  }
0x42: {  	_ =	shalt  }
0x43: {  	_ =	shalt  }
0x44: {  	_ =	shalt  }
0x45: {  	_ =	shalt  }
0x46: {  	_ =	shalt  }
0x47: {  	_ =	shalt  }
0x48: {  	_ =	shalt  }
0x49: {  	_ =	shalt  }
0x4a: {  	_ =	shalt  }
0x4b: {  	_ =	shalt  }
0x4c: {  	_ =	shalt  }
0x4d: {  	_ =	shalt  }
0x4e: {  	_ =	shalt  }
0x4f: {  	_ =	shalt  }
0x50: {  	_ =	shalt  }
0x51: {  	_ =	shalt  }
0x52: {  	_ =	shalt  }
0x53: {  	_ =	shalt  }
0x54: {  	_ =	shalt  }
0x55: {  	_ =	shalt  }
0x56: {  	_ =	shalt  }
0x57: {  	_ =	shalt  }
0x58: {  	_ =	shalt  }
0x59: {  	_ =	shalt  }
0x5a: {  	_ =	shalt  }
0x5b: {  	_ =	shalt  }
0x5c: {  	_ =	shalt  }
0x5d: {  	_ =	shalt  }
0x5e: {  	_ =	shalt  }
0x5f: {  	_ =	shalt  }
0x60: {  	_ =	shalt  }
0x61: {  	_ =	shalt  }
0x62: {  	_ =	shalt  }
0x63: {  	_ =	shalt  }
0x64: {  	_ =	shalt  }
0x65: {  	_ =	shalt  }
0x66: {  	_ =	shalt  }
0x67: {  	_ =	shalt  }
0x68: {  	_ =	shalt  }
0x69: {  	_ =	shalt  }
0x6a: {  	_ =	shalt  }
0x6b: {  	_ =	shalt  }
0x6c: {  	_ =	shalt  }
0x6d: {  	_ =	shalt  }
0x6e: {  	_ =	shalt  }
0x6f: {  	_ =	shalt  }
0x70: {  	_ =	shalt  }
0x71: {  	_ =	shalt  }
0x72: {  	_ =	shalt  }
0x73: {  	_ =	shalt  }
0x74: {  	_ =	shalt  }
0x75: {  	_ =	shalt  }
0x76: {  	_ =	shalt  }
0x77: {  	_ =	shalt  }
0x78: {  	_ =	shalt  }
0x79: {  	_ =	shalt  }
0x7a: {  	_ =	shalt  }
0x7b: {  	_ =	shalt  }
0x7c: {  	_ =	shalt  }
0x7d: {  	_ =	shalt  }
0x7e: {  	_ =	shalt  }
0x7f: {  	_ =	shalt  }
0x80: {  	_ =	shalt  }
0x81: {  	_ =	shalt  }
0x82: {  	_ =	shalt  }
0x83: {  	_ =	shalt  }
0x84: {  	_ =	shalt  }
0x85: {  	_ =	shalt  }
0x86: {  	_ =	shalt  }
0x87: {  	_ =	shalt  }
.Lfunc_end0:
.L_simem_size_0:
called_computation_lowered:
.L_overlay_start_0:
0x88: {  	s2 =	sld [smem:$0x3FD9]  }
0x89: {  	s3 =	sld [smem:$0x3FFE];
	_ =	sdelay $0x1  }
0x8a: {  	s1 =	srdreg.scid  }
0x8b: {  	s0 =	sand.u32 $0x1, s1  }
0x8c: {  	s17 =	sshll.u32 s0, $0xA;
	s2 =	sadd.s32 s3, s2  }
0x8d: {  	s2 =	sadd.s32 s2, s17  }
0x8e: {  	[smem:$0x3FC6] =	sst s2  }
0x8f: {  	_ = 	snop  }
0x90: {  	s2 =	sld [smem:$0x3FC9]  }
0x91: {  	s18 =	sld [smem:$0x3FC8];
	(tm) =	ssettm $0x1  }
0x92: {  	s4 =	sld [smem:$0x3FFB];
	_ =	sdelay $0x3  }
0x93: {  	_ =	strace s4  }
0x94: {  	s4 =	sld [smem:$0x3FFC];
	_ =	sdelay $0x3  }
0x95: {  	_ =	strace s4  }
0x96: {  	s4 =	sld [smem:$0x3FFD];
	_ =	sdelay $0x3  }
0x97: {  	_ =	strace s4  }
0x98: {  	_ =	strace $0x8FFFFFFF  }
0x99: {  	s19 =	sld [smem:$0x3FDB];
	_ =	sdelay $0x1  }
0x9a: {  	s5 =	simm.s32 $_scs_section_size  }
0x9b: {  	s6 =	simm.s32 $_size__tile_overlayer_lowered;
	s7 =	simm.s32 $_tile_overlayer_lowered  }
0x9c: {  	s22 =	simm.s32 $0x1BFF;
	s21 =	sshll.u32 s7, $0x1;
	s4 =	sadd.s32 s5, s19  }
0x9d: {  	s8 =	simm.s32 $0x0;
	s20 =	sshll.u32 s6, $0x1;
	s6 =	sadd.s32 s21, s4  }
0x9e: {  	[timem:s8], [sflag:s22] =	dma.local [hbm:s6], s20  }
0x9f: {  	_ =	swait.ge [sflag:s22], s20  }
0xa0: {  	s5 =	ssub.s32 $0x0, s20;
	[sflag:s22] =	ssyncset.done $0x0  }
0xa1: {  	[sflag:s22] =	ssyncadd.s32 s5;
	_ =	sdelay $0x1  }
0xa2: {  	s23 =	simm.s32 $0x1B8B  }
0xa3: {  	_ =	swait.ge [sflag:s23], $0x1  }
0xa4: {  	[sflag:s23] =	ssyncset.done $0x0  }
0xa5: {  	s25 =	simm.s32 $0x1B8E;
	s24 =	sld [smem:$0x3FFE];
	[sflag:s23] =	ssyncadd.s32 $0xFFFFFFFF  }
0xa6: {  	s26 =	simm.s32 $execute0_lowered;
	[smem:$0x3FD2] =	sst s25  }
0xa7: {  	s6 =	sshll.u32 s26, $0x1;
	_ =	strace $0x80000046;
	[dreg:$0x1] =	wrdreg $0xFFFFFFFF  }
0xa8: {  	s28 =	simm.s32 $_size_execute0_lowered;
	s4 =	sadd.s32 s4, s6;
	[dreg:$0x0] =	wrdreg $0x0  }
0xa9: {  	s6 =	sshll.u32 s28, $0x1;
	[dreg:$0x2] =	wrdreg s4  }
0xaa: {  	[dreg:$0x3] =	wrdreg s6  }
0xab: {  	[dreg:$0x4] =	wrdreg $0xC0  }
0xac: {  	_ =	task [dreg:s8], $0x5FFFF  }
0xad: {  	[dreg:$0x1] =	wrdreg $0xFFFFFFFF  }
0xae: {  	[dreg:$0x0] =	wrdreg $0x60  }
0xaf: {  	[dreg:$0x2] =	wrdreg s2  }
0xb0: {  	[dreg:$0x3] =	wrdreg s18  }
0xb1: {  	[dreg:$0x4] =	wrdreg s24  }
0xb2: {  	[dreg:$0x5] =	wrdreg $0x132000  }
0xb3: {  	[dreg:$0x6] =	wrdreg $0x9  }
0xb4: {  	_ =	task.clear_ibuf [dreg:s8], $0x7FFFF;
	_ =	strace $0x90000046  }
0xb5: {  	s29 =	simm.s32 $0x9;
	_ =	strace $0x80000048  }
0xb6: {  	_ =	swait.ge [sflag:s29], $0x1  }
0xb7: {  	[sflag:s29] =	ssyncadd.s32 $0xFFFFFFFF  }
0xb8: {  	_ =	strace $0x90000048  }
0xb9: {  	_ =	sfence  }
0xba: {  	s30 =	sld [smem:$0x0];
	_ =	sdelay $0x2  }
0xbb: {  	s31 =	sshll.u32 s1, $0xD;
	s1 =	sshrl.u32 s1, $0x2  }
0xbc: {  	s3 =	sand.u32 $0x4000, s31;
	s1 =	sadd.s32 s1, s30  }
0xbd: {  	s0 =	sor.u32 s3, s0;
	s1 =	sshll.u32 s1, $0x11  }
0xbe: {  	s0 =	sor.u32 s1, s0  }
0xbf: {  	s0 =	sadd.s32 $0x8F2B, s0  }
0xc0: {  	[sflag:s0] =	ssyncadd.remote.s32 $0x1  }
0xc1: {  	_ =	sfence.sel $0xFFFF  }
0xc2: {  	[dreg:$0x0] =	wrdreg $0xFFFFFFFF;
	(pc) =	sbr.abs _section_cstart, $3  }
0xc3: {  	[dreg:$0x1] =	wrdreg $0xFFFFFFFF  }
0xc4: {  	_ =	task.clear_ibuf [dreg:s8], $0x2FFFF;
	_ =	strace $0x9FFFFFFF  }
0xc5: {  	(tm) =	ssettm $0x7FFFFFFF  }
tec
execute0_lowered:
.L_overlay_start_1:
0x0: {  	(tag) =	ssettag $0x1  }
0x1: {  	s1 =	rddreg [dreg:$0x0]  }
0x2: {  	s3 =	rddreg [dreg:$0x1]  }
0x3: {  	s4 =	rddreg [dreg:$0x2]  }
0x4: {  	s10 =	rddreg [dreg:$0x3]  }
0x5: {  	s2 =	simm.s32 $0x0;
	s0 =	srdreg.scid;
	s14 =	stileid.u32  }
0x6: {  	s28 =	simm.s32 $0x2;
	s29 =	simm.s32 $0x3;
	s30 =	simm.s32 $0x4  }
0x7: {  	s31 =	simm.s32 $0x5;
	[smem:$0x7FF] =	sst s2;
	s5 =	sand.u32 $0x1, s0  }
0x8: {  	s7 =	sshll.u32 s14, $0xE;
	s20 =	sshll.u32 s14, $0x8;
	s24 =	sshll.u32 s14, $0x13  }
0x9: {  	p0 =	sne.s32 s14, $0x0;
	s0 =	simm.s32 $0x6;
	s14 =	simm.s32 $0x0  }
0xa: {  	_ =	strace $0x80000047;
	s6 =	sshll.u32 s5, $0x4;
	s8 =	sshll.u32 s5, $0xD  }
0xb: {  	v0 =	vimm.s32 $0xB80;
	vm0 =	vcmask $0x300;
	v1 =	vimm.s32 $0x1B80;
	s15 =	ssub.s32 $0x2, s5;
	s26 =	sshll.u32 s5, $0x12;
	s7 =	sor.u32 s8, s7  }
0xc: {  	vm1 =	vcmask $0x704;
	v0 =	vsel vm0, $0x0, v0;
	v1 =	vsel vm0, $0x1000, v1;
	s6 =	sadd.s32 s6, s4;
	s16 =	sshrl.u32 s15, $0x1;
	s9 =	sshrl.u32 s7, $0x3  }
0xd: {  	vm15 =	vcmask $0xB08;
	v0 =	vsel vm1, $0x80, v0;
	v1 =	vsel vm1, $0x1080, v1;
	s7 =	sshll.u32 s7, $0x5;
	s13 =	ssub.s32 s15, s16;
	s22 =	sadd.s32 $0xA00, s6  }
0xe: {  	vm4 =	vcmask $0xF0C;
	v0 =	vsel vm15, $0x100, v0;
	v1 =	vsel vm15, $0x1100, v1;
	s23 =	sadd.s32 $0xC00, s6;
	s3 =	sadd.s32 s3, s9;
	[dreg:$0xd] =	wrdreg s22  }
0xf: {  	vm5 =	vcmask $0x1310;
	v0 =	vsel vm4, $0x180, v0;
	v1 =	vsel vm4, $0x1180, v1;
	s11 =	sadd.s32 s1, s7;
	[dreg:$0xe] =	wrdreg s23;
	s25 =	smax.u32 s13, $0x1  }
0x10: {  	vm6 =	vcmask $0x1714;
	v0 =	vsel vm5, $0x200, v0;
	v1 =	vsel vm5, $0x1200, v1;
	s1 =	sadd.s32 s24, s1;
	s22 =	simm.s32 $0xA000;
	s23 =	simm.s32 $0xC000  }
0x11: {  	vm7 =	vcmask $0x1B18;
	s24 =	simm.s32 $0xE000;
	s13 =	simm.s32 $0x8;
	[dreg:$0x5] =	wrdreg s3;
	v0 =	vsel vm6, $0x280, v0;
	v1 =	vsel vm6, $0x1280, v1  }
0x12: {  	vm8 =	vcmask $0x1F1C;
	s12 =	sadd.s32 $0x400, s11;
	s17 =	sadd.s32 $0x800, s11;
	s15 =	sadd.s32 $0xC00, s11;
	v0 =	vsel vm7, $0x300, v0;
	v1 =	vsel vm7, $0x1300, v1  }
0x13: {  	vm9 =	vcmask $0x2320;
	s18 =	sadd.s32 $0x1000, s11;
	s19 =	sadd.s32 $0x1400, s11;
	[dreg:$0xf] =	wrdreg s25;
	v0 =	vsel vm8, $0x380, v0;
	v1 =	vsel vm8, $0x1380, v1  }
0x14: {  	vm10 =	vcmask $0x2724;
	s7 =	sadd.s32 $0x1800, s11;
	s21 =	sadd.s32 $0x1C00, s11;
	[dreg:$0x9] =	wrdreg s17;
	v0 =	vsel vm9, $0x800, v0;
	v1 =	vsel vm9, $0x1800, v1  }
0x15: {  	vm11 =	vcmask $0x2B28;
	s3 =	sadd.s32 s20, s10;
	s16 =	sadd.s32 s26, s1;
	[dreg:$0x8] =	wrdreg s18;
	v0 =	vsel vm10, $0x880, v0;
	v1 =	vsel vm10, $0x1880, v1  }
.Ltmp0:
0x16: {  	vm12 =	vcmask $0x2F2C;
	s20 =	simm.s32 $0x6000;
	[dreg:$0xb] =	wrdreg s21;
	v0 =	vsel vm11, $0x900, v0;
	v1 =	vsel vm11, $0x1900, v1;
	(pc) =	sbr.rel .LBB2_1-.Ltmp0, $4  }
0x17: {  	vm13 =	vcmask $0x3330;
	s25 =	simm.s32 $0x10000;
	s26 =	simm.s32 $0x1;
	[dreg:$0xc] =	wrdreg s3;
	v0 =	vsel vm12, $0x980, v0;
	v1 =	vsel vm12, $0x1980, v1  }
0x18: {  	vm14 =	vcmask $0x3734;
	s1 =	simm.s32 $0x7;
	s10 =	smov.u32 s19;
	[dreg:$0x6] =	wrdreg s12;
	v0 =	vsel vm13, $0xA00, v0;
	v1 =	vsel vm13, $0x1A00, v1  }
0x19: {  	vm15 =	vcmask $0x3B38;
	s4 =	smov.u32 s7;
	s18 =	simm.s32 $0x2000;
	[dreg:$0x7] =	wrdreg s15;
	v0 =	vsel vm14, $0xA80, v0;
	v2 =	vsel vm14, $0x1A80, v1  }
0x1a: {  	s19 =	simm.s32 $0x4000;
	s21 =	simm.s32 $0x8000;
	[dreg:$0xa] =	wrdreg s4;
	v1 =	vimm.f32 $1.000000000e+00;
	v0 =	vsel vm15, $0xB00, v0;
	v2 =	vsel vm15, $0x1B00, v2  }
.LBB2_4:
0x1b: {  	[tilespmem:$0x12000] =	vst v4  }
0x1c: {  	[tilespmem:$0x12080] =	vst v3;
	s3 =	rddreg [dreg:$0xc];
	s5 =	simm.s32 $0x12000;
	s17 =	simm.s32 $0x9  }
0x1d: {  	[spmem:s3] =	stream.linear.scatter [tilespmem:s5], [sflag:$0x9], $0x100, $0x38;
	[tilespmem:$0x13220] =	vst v63  }
.Ltmp1:
0x1e: {  	_ =	swait.ge [sflag:s17], $0x100;
	(pc) =	sbr.rel @!p0 .LBB2_5-.Ltmp1, $3  }
0x1f: {  	[sflag:s17] =	ssyncset.done $0x0  }
0x20: {  	[sflag:s17] =	ssyncadd.s32 $0xFFFFFF00  }
0x21: {  	[bflag:$0x0] =	sbarrier.arrive $0xFFFF;
	_ =	sdelay $0x1  }
.LBB2_6:
0x22: {  	s14 =	sadd.s32 $0x1, s14;
	s3 =	rddreg [dreg:$0xf]  }
0x23: {  	p1 =	sne.s32 s14, s3  }
.Ltmp2:
0x24: {  	_ = 	snop;
	(pc) =	sbr.rel @!p1 .LBB2_7-.Ltmp2, $1  }
0x25: {  	_ =	sdelay $0x3  }
.LBB2_1:
0x26: {  	s3 =	rddreg [dreg:$0x5];
	s7 =	simm.s32 $0x9  }
0x27: {  	[tilespmem:s2], [sflag:$0x9] =	stream.linear.gather [hbm4b:s3+s2], $0x2000, $0x38;
	[tilespmem:$0x13220] =	vst v63  }
0x28: {  	_ =	swait.ge [sflag:s7], $0x2000  }
0x29: {  	[sflag:s7] =	ssyncset.done $0x0  }
0x2a: {  	[sflag:s7] =	ssyncadd.s32 $0xFFFFE000  }
0x2b: {  	[tilespmem:s18], [sflag:$0x1] =	stream.linear.gather [hbm4b:s11+s2], $0x2000, $0x38;
	[tilespmem:$0x13220] =	vst v63  }
0x2c: {  	_ = 	snop  }
0x2d: {  	[tilespmem:s19], [sflag:$0x2] =	stream.linear.gather [hbm4b:s12+s2], $0x2000, $0x38;
	[tilespmem:$0x13220] =	vst v63  }
0x2e: {  	s8 =	rddreg [dreg:$0x9]  }
0x2f: {  	[tilespmem:s20], [sflag:$0x3] =	stream.linear.gather [hbm4b:s8+s2], $0x2000, $0x38;
	[tilespmem:$0x13220] =	vst v63  }
0x30: {  	_ = 	snop  }
0x31: {  	[tilespmem:s21], [sflag:$0x4] =	stream.linear.gather [hbm4b:s15+s2], $0x2000, $0x38;
	[tilespmem:$0x13220] =	vst v63  }
0x32: {  	s9 =	rddreg [dreg:$0x8]  }
0x33: {  	[tilespmem:s22], [sflag:$0x5] =	stream.linear.gather [hbm4b:s9+s2], $0x2000, $0x38;
	[tilespmem:$0x13220] =	vst v63  }
0x34: {  	_ = 	snop  }
0x35: {  	[tilespmem:s23], [sflag:$0x6] =	stream.linear.gather [hbm4b:s10+s2], $0x2000, $0x38;
	[tilespmem:$0x13220] =	vst v63  }
0x36: {  	_ = 	snop  }
0x37: {  	[tilespmem:s24], [sflag:$0x7] =	stream.linear.gather [hbm4b:s4+s2], $0x2000, $0x38;
	[tilespmem:$0x13220] =	vst v63  }
0x38: {  	s5 =	simm.s32 $0x0;
	s3 =	simm.s32 $0x80;
	s17 =	rddreg [dreg:$0xb]  }
0x39: {  	v3 =	vimm.f32 $0.0e+00;
	v4 =	vimm.f32 $0.0e+00;
	[tilespmem:s25], [sflag:$0x8] =	stream.linear.gather [hbm4b:s17+s2], $0x2000, $0x38;
	[tilespmem:$0x13220] =	vst v63  }
.LBB2_2:
0x3a: {  	_ =	swait.ge [sflag:s26], $0x2000  }
0x3b: {  	[sflag:s26] =	ssyncset.done $0x0  }
0x3c: {  	[sflag:s26] =	ssyncadd.s32 $0xFFFFE000  }
0x3d: {  	v11 =	vld [tilespmem:s3+$0xFFFFFF80]  }
0x3e: {  	v8 =	vld [tilespmem:s3+$0xFFFFFF90];
	_ =	sdelay $0x3  }
0x3f: {  	v5 =	vshll.u32 v11, $0x3  }
0x40: {  	v6 =	vand.u32 $0x7F, v11;
	v7 =	vshll.u32 v8, $0x3;
	v5 =	vand.u32 $0xFFFFFC00, v5  }
0x41: {  	v7 =	vand.u32 $0xFFFFFC00, v7;
	v5 =	vor.u32 v6, v5;
	v6 =	vand.u32 $0x7F, v8  }
0x42: {  	v5 =	vadd.s32 v0, v5;
	v6 =	vor.u32 v6, v7  }
0x43: {  	v6 =	vadd.s32 v2, v6;
	_ =	sdelay $0x1  }
0x44: {  	p1 =	seq.s32 s5, $0x3E000  }
0x45: {  	s7 =	sadd.s32 @!p1 s5, s16  }
0x46: {  	s6 =	simm.s32 @!p1 $0x0;
	s9 =	simm.s32 @!p1 $0x2000;
	s8 =	sadd.s32 @!p1 $0x2000, s7;
	v12 =	vld.idx.msk [tilespmem:v5+s18+$0x0], $0xffff  }
0x47: {  	v13 =	vld.idx.msk [tilespmem:v6+s18+$0x0], $0xffff;
	[tilespmem:s9], [sflag:$0x1] =	stream.linear.gather @!p1 [hbm4b:s8+s6], $0x2000, $0x38  }
0x48: {  	_ =	swait.ge [sflag:s28], $0x2000  }
0x49: {  	[sflag:s28] =	ssyncset.done $0x0  }
0x4a: {  	[sflag:s28] =	ssyncadd.s32 $0xFFFFE000  }
0x4b: {  	v14 =	vld [tilespmem:s3+$0xFFFFFFA0]  }
0x4c: {  	v6 =	vld [tilespmem:s3+$0xFFFFFFB0];
	_ =	sdelay $0x3  }
0x4d: {  	v5 =	vshll.u32 v14, $0x3  }
0x4e: {  	v7 =	vand.u32 $0x7F, v14;
	v9 =	vshll.u32 v6, $0x3;
	v5 =	vand.u32 $0xFFFFFC00, v5  }
0x4f: {  	v9 =	vand.u32 $0xFFFFFC00, v9;
	v5 =	vor.u32 v7, v5;
	v7 =	vand.u32 $0x7F, v6  }
0x50: {  	v5 =	vadd.s32 v0, v5;
	v7 =	vor.u32 v7, v9  }
0x51: {  	v7 =	vadd.s32 v2, v7;
	_ =	sdelay $0x3  }
0x52: {  	s8 =	sadd.s32 @!p1 $0x2400, s7;
	s9 =	simm.s32 @!p1 $0x4000;
	v15 =	vld.idx.msk [tilespmem:v5+s19+$0x0], $0xffff  }
0x53: {  	v16 =	vld.idx.msk [tilespmem:v7+s19+$0x0], $0xffff;
	[tilespmem:s9], [sflag:$0x2] =	stream.linear.gather @!p1 [hbm4b:s8+s6], $0x2000, $0x38  }
0x54: {  	_ =	swait.ge [sflag:s29], $0x2000  }
0x55: {  	[sflag:s29] =	ssyncset.done $0x0  }
0x56: {  	[sflag:s29] =	ssyncadd.s32 $0xFFFFE000  }
0x57: {  	v17 =	vld [tilespmem:s3+$0xFFFFFFC0]  }
0x58: {  	v10 =	vld [tilespmem:s3+$0xFFFFFFD0];
	_ =	sdelay $0x3  }
0x59: {  	v5 =	vshll.u32 v17, $0x3  }
0x5a: {  	v7 =	vand.u32 $0x7F, v17;
	v52 =	vshll.u32 v10, $0x3;
	v5 =	vand.u32 $0xFFFFFC00, v5  }
0x5b: {  	v9 =	vand.u32 $0xFFFFFC00, v52;
	v5 =	vor.u32 v7, v5;
	v7 =	vand.u32 $0x7F, v10  }
0x5c: {  	v5 =	vadd.s32 v0, v5;
	v7 =	vor.u32 v7, v9  }
0x5d: {  	v7 =	vadd.s32 v2, v7;
	_ =	sdelay $0x3  }
0x5e: {  	s8 =	sadd.s32 @!p1 $0x2800, s7;
	s9 =	simm.s32 @!p1 $0x6000;
	v18 =	vld.idx.msk [tilespmem:v5+s20+$0x0], $0xffff  }
0x5f: {  	v19 =	vld.idx.msk [tilespmem:v7+s20+$0x0], $0xffff;
	[tilespmem:s9], [sflag:$0x3] =	stream.linear.gather @!p1 [hbm4b:s8+s6], $0x2000, $0x38  }
0x60: {  	_ =	swait.ge [sflag:s30], $0x2000  }
0x61: {  	[sflag:s30] =	ssyncset.done $0x0  }
0x62: {  	[sflag:s30] =	ssyncadd.s32 $0xFFFFE000  }
0x63: {  	v20 =	vld [tilespmem:s3+$0xFFFFFFE0]  }
0x64: {  	v53 =	vld [tilespmem:s3+$0xFFFFFFF0];
	_ =	sdelay $0x3  }
0x65: {  	v5 =	vshll.u32 v20, $0x3  }
0x66: {  	v7 =	vand.u32 $0x7F, v20;
	v21 =	vshll.u32 v53, $0x3;
	v5 =	vand.u32 $0xFFFFFC00, v5  }
0x67: {  	v21 =	vand.u32 $0xFFFFFC00, v21;
	v5 =	vor.u32 v7, v5;
	v7 =	vand.u32 $0x7F, v53  }
0x68: {  	v5 =	vadd.s32 v0, v5;
	v7 =	vor.u32 v7, v21  }
0x69: {  	v7 =	vadd.s32 v2, v7;
	_ =	sdelay $0x3  }
0x6a: {  	s8 =	sadd.s32 @!p1 $0x2C00, s7;
	s9 =	simm.s32 @!p1 $0x8000;
	v54 =	vld.idx.msk [tilespmem:v5+s21+$0x0], $0xffff  }
0x6b: {  	v22 =	vld.idx.msk [tilespmem:v7+s21+$0x0], $0xffff;
	[tilespmem:s9], [sflag:$0x4] =	stream.linear.gather @!p1 [hbm4b:s8+s6], $0x2000, $0x38  }
0x6c: {  	_ =	swait.ge [sflag:s31], $0x2000  }
0x6d: {  	[sflag:s31] =	ssyncset.done $0x0  }
0x6e: {  	[sflag:s31] =	ssyncadd.s32 $0xFFFFE000  }
0x6f: {  	v23 =	vld [tilespmem:s3+$0x0]  }
0x70: {  	v5 =	vld [tilespmem:s3+$0x10];
	_ =	sdelay $0x3  }
0x71: {  	v7 =	vshll.u32 v23, $0x3  }
0x72: {  	v24 =	vand.u32 $0x7F, v23;
	v25 =	vshll.u32 v5, $0x3;
	v7 =	vand.u32 $0xFFFFFC00, v7  }
0x73: {  	v55 =	vand.u32 $0x7F, v5;
	v25 =	vand.u32 $0xFFFFFC00, v25;
	v7 =	vor.u32 v24, v7  }
0x74: {  	v24 =	vor.u32 v55, v25;
	v7 =	vadd.s32 v0, v7  }
0x75: {  	v24 =	vadd.s32 v2, v24;
	_ =	sdelay $0x3  }
0x76: {  	s8 =	sadd.s32 @!p1 $0x3000, s7;
	s9 =	simm.s32 @!p1 $0xA000;
	v56 =	vld.idx.msk [tilespmem:v7+s22+$0x0], $0xffff  }
0x77: {  	v24 =	vld.idx.msk [tilespmem:v24+s22+$0x0], $0xffff;
	[tilespmem:s9], [sflag:$0x5] =	stream.linear.gather @!p1 [hbm4b:s8+s6], $0x2000, $0x38  }
0x78: {  	_ =	swait.ge [sflag:s0], $0x2000  }
0x79: {  	[sflag:s0] =	ssyncset.done $0x0  }
0x7a: {  	[sflag:s0] =	ssyncadd.s32 $0xFFFFE000  }
0x7b: {  	v26 =	vld [tilespmem:s3+$0x20]  }
0x7c: {  	v7 =	vld [tilespmem:s3+$0x30];
	_ =	sdelay $0x3  }
0x7d: {  	v27 =	vshll.u32 v26, $0x3  }
0x7e: {  	v28 =	vand.u32 $0x7F, v26;
	v29 =	vshll.u32 v7, $0x3;
	v27 =	vand.u32 $0xFFFFFC00, v27  }
0x7f: {  	v57 =	vand.u32 $0x7F, v7;
	v29 =	vand.u32 $0xFFFFFC00, v29;
	v27 =	vor.u32 v28, v27  }
0x80: {  	v28 =	vor.u32 v57, v29;
	v27 =	vadd.s32 v0, v27  }
0x81: {  	v28 =	vadd.s32 v2, v28;
	_ =	sdelay $0x3  }
0x82: {  	s8 =	sadd.s32 @!p1 $0x3400, s7;
	s9 =	simm.s32 @!p1 $0xC000;
	v27 =	vld.idx.msk [tilespmem:v27+s23+$0x0], $0xffff  }
0x83: {  	v28 =	vld.idx.msk [tilespmem:v28+s23+$0x0], $0xffff;
	[tilespmem:s9], [sflag:$0x6] =	stream.linear.gather @!p1 [hbm4b:s8+s6], $0x2000, $0x38  }
0x84: {  	_ =	swait.ge [sflag:s1], $0x2000  }
0x85: {  	vm0 =	veq.s32 v11, $0x0;
	v12 =	vsub.f32 $1.000000000e+00, v12;
	[sflag:s1] =	ssyncset.done $0x0  }
0x86: {  	vm1 =	veq.s32 v8, $0x0;
	v58 =	vsel vm0, $0x0, v1;
	[sflag:s1] =	ssyncadd.s32 $0xFFFFE000  }
0x87: {  	v3 =	vadd.f32 v58, v3;
	v13 =	vsub.f32 $1.000000000e+00, v13;
	v12 =	vmul.f32 v12, v12;
	v11 =	vld [tilespmem:s3+$0x40]  }
0x88: {  	v61 =	vsel vm1, $0x0, v1;
	v29 =	vld [tilespmem:s3+$0x50]  }
0x89: {  	v3 =	vadd.f32 v61, v3;
	v13 =	vmul.f32 v13, v13;
	v12 =	vsel vm0, $0x0, v12  }
0x8a: {  	v4 =	vadd.f32 v12, v4;
	vm14 =	veq.s32 v14, $0x0;
	v60 =	vsub.f32 $1.000000000e+00, v15  }
0x8b: {  	v59 =	vsel vm1, $0x0, v13;
	vm15 =	veq.s32 v6, $0x0;
	v36 =	vsel vm14, $0x0, v1  }
0x8c: {  	v4 =	vadd.f32 v59, v4;
	v62 =	vmul.f32 v60, v60;
	v63 =	vshll.u32 v11, $0x3  }
0x8d: {  	v30 =	vand.u32 $0x7F, v11;
	v31 =	vshll.u32 v29, $0x3;
	v13 =	vand.u32 $0xFFFFFC00, v63  }
0x8e: {  	v32 =	vand.u32 $0x7F, v29;
	v15 =	vand.u32 $0xFFFFFC00, v31;
	v13 =	vor.u32 v30, v13  }
0x8f: {  	v3 =	vadd.f32 v36, v3;
	v14 =	vor.u32 v32, v15;
	v13 =	vadd.s32 v0, v13  }
0x90: {  	v33 =	vsub.f32 $1.000000000e+00, v16;
	v34 =	vsel vm14, $0x0, v62;
	v35 =	vadd.s32 v2, v14  }
0x91: {  	v4 =	vadd.f32 v34, v4;
	vm4 =	veq.s32 v17, $0x0;
	v37 =	vsub.f32 $1.000000000e+00, v18  }
0x92: {  	vm5 =	veq.s32 v10, $0x0;
	v39 =	vsub.f32 $1.000000000e+00, v19;
	v15 =	vmul.f32 v33, v33  }
0x93: {  	v41 =	vsel vm4, $0x0, v1;
	v43 =	vsel vm5, $0x0, v1;
	v38 =	vmul.f32 v37, v37  }
0x94: {  	v40 =	vmul.f32 v39, v39;
	vm6 =	veq.s32 v20, $0x0;
	s7 =	sadd.s32 @!p1 $0x3800, s7;
	s8 =	simm.s32 @!p1 $0xE000;
	v6 =	vsel vm15, $0x0, v15;
	v13 =	vld.idx.msk [tilespmem:v13+s24+$0x0], $0xffff  }
0x95: {  	v42 =	vsub.f32 $1.000000000e+00, v54;
	v4 =	vadd.f32 v6, v4;
	v6 =	vsel vm15, $0x0, v1;
	v12 =	vld.idx.msk [tilespmem:v35+s24+$0x0], $0xffff;
	[tilespmem:s8], [sflag:$0x7] =	stream.linear.gather @!p1 [hbm4b:s7+s6], $0x2000, $0x38  }
0x96: {  	v44 =	vsub.f32 $1.000000000e+00, v22;
	v3 =	vadd.f32 v6, v3;
	v6 =	vsel vm4, $0x0, v38;
	_ =	swait.ge [sflag:s13], $0x2000  }
0x97: {  	vm7 =	veq.s32 v53, $0x0;
	v10 =	vmul.f32 v42, v42;
	v4 =	vadd.f32 v6, v4;
	[sflag:s13] =	ssyncset.done $0x0  }
0x98: {  	v45 =	vmul.f32 v44, v44;
	v6 =	vsel vm5, $0x0, v40;
	v3 =	vadd.f32 v41, v3;
	[sflag:s13] =	ssyncadd.s32 $0xFFFFE000  }
0x99: {  	vm8 =	veq.s32 v23, $0x0;
	vm9 =	veq.s32 v5, $0x0;
	v4 =	vadd.f32 v6, v4;
	v47 =	vld [tilespmem:s3+$0x60]  }
0x9a: {  	v46 =	vsub.f32 $1.000000000e+00, v56;
	v6 =	vsel vm6, $0x0, v10;
	v3 =	vadd.f32 v43, v3  }
0x9b: {  	v50 =	vsub.f32 $1.000000000e+00, v24;
	v4 =	vadd.f32 v6, v4;
	v6 =	vsel vm6, $0x0, v1;
	v49 =	vld [tilespmem:s3+$0x70]  }
0x9c: {  	v48 =	vmul.f32 v46, v46;
	v3 =	vadd.f32 v6, v3;
	v6 =	vsel vm7, $0x0, v45  }
0x9d: {  	v8 =	vmul.f32 v50, v50;
	v4 =	vadd.f32 v6, v4;
	v6 =	vsel vm7, $0x0, v1  }
0x9e: {  	v3 =	vadd.f32 v6, v3;
	v6 =	vsel vm8, $0x0, v48;
	v51 =	vshll.u32 v47, $0x3  }
0x9f: {  	v4 =	vadd.f32 v6, v4;
	v52 =	vand.u32 $0x7F, v47;
	v10 =	vand.u32 $0xFFFFFC00, v51  }
0xa0: {  	v6 =	vsel vm8, $0x0, v1;
	v54 =	vshll.u32 v49, $0x3;
	v10 =	vor.u32 v52, v10  }
0xa1: {  	v55 =	vand.u32 $0x7F, v49;
	v15 =	vand.u32 $0xFFFFFC00, v54;
	v10 =	vadd.s32 v0, v10  }
0xa2: {  	v53 =	vsub.f32 $1.000000000e+00, v27;
	v3 =	vadd.f32 v6, v3;
	v6 =	vor.u32 v55, v15  }
0xa3: {  	v5 =	vsel vm9, $0x0, v8;
	vm10 =	veq.s32 v26, $0x0;
	v6 =	vadd.s32 v2, v6  }
0xa4: {  	vm11 =	veq.s32 v7, $0x0;
	v58 =	vsub.f32 $1.000000000e+00, v28;
	v56 =	vmul.f32 v53, v53  }
0xa5: {  	v59 =	vsel vm10, $0x0, v1;
	v57 =	vsel vm9, $0x0, v1;
	v4 =	vadd.f32 v5, v4  }
0xa6: {  	v60 =	vmul.f32 v58, v58;
	v5 =	vsel vm10, $0x0, v56;
	v3 =	vadd.f32 v57, v3;
	v10 =	vld.idx.msk [tilespmem:v10+s25+$0x0], $0xffff  }
0xa7: {  	vm12 =	veq.s32 v11, $0x0;
	v13 =	vsub.f32 $1.000000000e+00, v13;
	v4 =	vadd.f32 v5, v4  }
0xa8: {  	v61 =	vsub.f32 $1.000000000e+00, v12;
	v5 =	vsel vm11, $0x0, v60;
	v3 =	vadd.f32 v59, v3;
	v6 =	vld.idx.msk [tilespmem:v6+s25+$0x0], $0xffff  }
0xa9: {  	v7 =	vmul.f32 v13, v13;
	v4 =	vadd.f32 v5, v4;
	v5 =	vsel vm11, $0x0, v1  }
0xaa: {  	v62 =	vsel vm12, $0x0, v1;
	v3 =	vadd.f32 v5, v3  }
0xab: {  	v5 =	vsel vm12, $0x0, v7;
	v7 =	vmul.f32 v61, v61;
	v10 =	vsub.f32 $1.000000000e+00, v10  }
0xac: {  	vm13 =	veq.s32 v29, $0x0;
	v4 =	vadd.f32 v5, v4;
	v3 =	vadd.f32 v62, v3  }
0xad: {  	v5 =	vsel vm13, $0x0, v7;
	v6 =	vsub.f32 $1.000000000e+00, v6;
	v63 =	vmul.f32 v10, v10  }
0xae: {  	vm14 =	veq.s32 v47, $0x0;
	v7 =	vsel vm13, $0x0, v1;
	v4 =	vadd.f32 v5, v4  }
.Ltmp3:
0xaf: {  	v3 =	vadd.f32 v7, v3;
	v6 =	vmul.f32 v6, v6;
	v5 =	vsel vm14, $0x0, v63;
	(pc) =	sbr.rel @p1 .LBB2_4-.Ltmp3, $4  }
0xb0: {  	vm15 =	veq.s32 v49, $0x0;
	v7 =	vsel vm14, $0x0, v1;
	v4 =	vadd.f32 v5, v4  }
0xb1: {  	v3 =	vadd.f32 v7, v3;
	v5 =	vsel vm15, $0x0, v6  }
0xb2: {  	v6 =	vsel vm15, $0x0, v1;
	v4 =	vadd.f32 v5, v4  }
0xb3: {  	v3 =	vadd.f32 v6, v3  }
.Ltmp4:
0xb4: {  	(pc) =	sbr.rel .LBB2_2-.Ltmp4, $4  }
0xb5: {  	_ = 	snop  }
0xb6: {  	s6 =	sadd.s32 s5, s16  }
0xb7: {  	s5 =	sadd.s32 $0x2000, s5;
	s3 =	sadd.s32 $0x100, s3;
	s6 =	sadd.s32 $0x3C00, s6  }
0xb8: {  	[tilespmem:s25], [sflag:$0x8] =	stream.linear.gather [hbm4b:s6+s2], $0x2000, $0x38;
	[tilespmem:$0x13220] =	vst v63  }
.LBB2_5:
0xb9: {  	s3 =	rddreg [dreg:$0x3];
	s5 =	simm.s32 $0x12100;
	s15 =	simm.s32 $0x9  }
0xba: {  	[tilespmem:s5], [sflag:$0x9] =	stream.linear.gather [spmem:s3], $0x1000, $0x38;
	[tilespmem:$0x13220] =	vst v63  }
0xbb: {  	_ =	swait.ge [sflag:s15], $0x1000  }
0xbc: {  	[sflag:s15] =	ssyncset.done $0x0  }
0xbd: {  	[sflag:s15] =	ssyncadd.s32 $0xFFFFF000  }
0xbe: {  	v3 =	vld [tilespmem:$0x12100];
	_ =	sdelay $0x1  }
0xbf: {  	v4 =	vld [tilespmem:$0x12200];
	_ =	sdelay $0x1  }
0xc0: {  	v5 =	vld [tilespmem:$0x12300]  }
0xc1: {  	v3 =	vadd.f32 $0.0e+00, v3  }
0xc2: {  	v6 =	vld [tilespmem:$0x12400]  }
0xc3: {  	v3 =	vadd.f32 v4, v3  }
0xc4: {  	v39 =	vld [tilespmem:$0x12500]  }
0xc5: {  	v3 =	vadd.f32 v5, v3  }
0xc6: {  	v40 =	vld [tilespmem:$0x12600]  }
0xc7: {  	v3 =	vadd.f32 v6, v3  }
0xc8: {  	v41 =	vld [tilespmem:$0x12700]  }
0xc9: {  	v3 =	vadd.f32 v39, v3  }
0xca: {  	v42 =	vld [tilespmem:$0x12800]  }
0xcb: {  	v3 =	vadd.f32 v40, v3  }
0xcc: {  	v43 =	vld [tilespmem:$0x12900]  }
0xcd: {  	v3 =	vadd.f32 v41, v3  }
0xce: {  	v44 =	vld [tilespmem:$0x12A00]  }
0xcf: {  	v3 =	vadd.f32 v42, v3  }
0xd0: {  	v45 =	vld [tilespmem:$0x12B00]  }
0xd1: {  	v7 =	vld [tilespmem:$0x12180];
	v3 =	vadd.f32 v43, v3  }
0xd2: {  	v47 =	vld [tilespmem:$0x12C00]  }
0xd3: {  	v8 =	vld [tilespmem:$0x12280];
	v3 =	vadd.f32 v44, v3  }
0xd4: {  	v48 =	vld [tilespmem:$0x12D00]  }
0xd5: {  	v9 =	vld [tilespmem:$0x12380];
	v3 =	vadd.f32 v45, v3  }
0xd6: {  	v51 =	vld [tilespmem:$0x12E00]  }
0xd7: {  	v10 =	vld [tilespmem:$0x12480];
	v46 =	vadd.f32 $0.0e+00, v7;
	v3 =	vadd.f32 v47, v3  }
0xd8: {  	v53 =	vld [tilespmem:$0x12F00]  }
0xd9: {  	v11 =	vld [tilespmem:$0x12580];
	v5 =	vadd.f32 v8, v46;
	v3 =	vadd.f32 v48, v3  }
0xda: {  	v55 =	vld [tilespmem:$0x13000]  }
0xdb: {  	v50 =	vadd.f32 v9, v5;
	v3 =	vadd.f32 v51, v3  }
0xdc: {  	v49 =	vld [tilespmem:$0x12680]  }
0xdd: {  	v4 =	vadd.f32 v10, v50;
	v3 =	vadd.f32 v53, v3  }
0xde: {  	v52 =	vld [tilespmem:$0x12780]  }
0xdf: {  	v4 =	vadd.f32 v11, v4;
	v3 =	vadd.f32 v55, v3  }
0xe0: {  	v54 =	vld [tilespmem:$0x12880]  }
0xe1: {  	v4 =	vadd.f32 v49, v4;
	(v2sf) =	vpush v3, $0x0  }
0xe2: {  	v56 =	vld [tilespmem:$0x12980];
	(v2sf) =	vpush v3, $0x1  }
0xe3: {  	v4 =	vadd.f32 v52, v4;
	(v2sf) =	vpush v3, $0x2  }
0xe4: {  	v57 =	vld [tilespmem:$0x12A80];
	(v2sf) =	vpush v3, $0x3  }
0xe5: {  	v4 =	vadd.f32 v54, v4;
	(v2sf) =	vpush v3, $0x4  }
0xe6: {  	v58 =	vld [tilespmem:$0x12B80];
	(v2sf) =	vpush v3, $0x5  }
0xe7: {  	v4 =	vadd.f32 v56, v4;
	(v2sf) =	vpush v3, $0x6  }
0xe8: {  	v59 =	vld [tilespmem:$0x12C80];
	(v2sf) =	vpush v3, $0x7  }
0xe9: {  	v4 =	vadd.f32 v57, v4;
	(v2sf) =	vpush v3, $0x8  }
0xea: {  	v60 =	vld [tilespmem:$0x12D80];
	(v2sf) =	vpush v3, $0x9  }
0xeb: {  	v4 =	vadd.f32 v58, v4  }
0xec: {  	v61 =	vld [tilespmem:$0x12E80];
	(v2sf) =	vpush v3, $0xA  }
0xed: {  	v4 =	vadd.f32 v59, v4  }
0xee: {  	v62 =	vld [tilespmem:$0x12F80];
	(v2sf) =	vpush v3, $0xB  }
0xef: {  	v4 =	vadd.f32 v60, v4  }
0xf0: {  	v63 =	vld [tilespmem:$0x13080];
	(v2sf) =	vpush v3, $0xC;
	s3 =	spop (v2sf)  }
0xf1: {  	v4 =	vadd.f32 v61, v4;
	s5 =	spop (v2sf)  }
0xf2: {  	(v2sf) =	vpush v3, $0xD;
	s6 =	spop (v2sf)  }
0xf3: {  	v4 =	vadd.f32 v62, v4;
	s3 =	sadd.f32 s5, s3;
	s7 =	spop (v2sf)  }
0xf4: {  	(v2sf) =	vpush v3, $0xE;
	s8 =	spop (v2sf)  }
0xf5: {  	v4 =	vadd.f32 v63, v4;
	(v2sf) =	vpush v3, $0xF;
	s3 =	sadd.f32 s3, s6;
	s9 =	spop (v2sf)  }
0xf6: {  	s4 =	smov.u32 s10;
	s10 =	spop (v2sf)  }
0xf7: {  	s12 =	smov.u32 s11;
	(v2sf) =	vpush v4, $0x0;
	s3 =	sadd.f32 s3, s7;
	s11 =	spop (v2sf)  }
0xf8: {  	(v2sf) =	vpush v4, $0x1;
	s15 =	spop (v2sf)  }
0xf9: {  	s3 =	sadd.f32 s3, s8;
	s17 =	spop (v2sf)  }
0xfa: {  	(v2sf) =	vpush v4, $0x2;
	[dreg:$0x16] =	wrdreg s17  }
0xfb: {  	s17 =	spop (v2sf);
	s3 =	sadd.f32 s3, s9  }
0xfc: {  	(v2sf) =	vpush v4, $0x3;
	[dreg:$0x15] =	wrdreg s17  }
0xfd: {  	s17 =	spop (v2sf);
	s9 =	rddreg [dreg:$0x16]  }
0xfe: {  	[dreg:$0x14] =	wrdreg s17  }
0xff: {  	(v2sf) =	vpush v4, $0x4;
	s17 =	spop (v2sf);
	s3 =	sadd.f32 s3, s10  }
0x100: {  	[dreg:$0x13] =	wrdreg s17  }
0x101: {  	(v2sf) =	vpush v4, $0x5;
	s17 =	spop (v2sf);
	s7 =	rddreg [dreg:$0x14]  }
0x102: {  	[dreg:$0x12] =	wrdreg s17  }
0x103: {  	(v2sf) =	vpush v4, $0x6;
	s17 =	spop (v2sf);
	s3 =	sadd.f32 s3, s11  }
0x104: {  	[dreg:$0x11] =	wrdreg s17;
	s17 =	spop (v2sf)  }
0x105: {  	(v2sf) =	vpush v4, $0x7;
	[dreg:$0x10] =	wrdreg s17  }
0x106: {  	s17 =	spop (v2sf);
	s3 =	sadd.f32 s3, s15  }
0x107: {  	(v2sf) =	vpush v4, $0x8;
	s15 =	rddreg [dreg:$0x7];
	s5 =	spop (v2sf)  }
0x108: {  	s6 =	sadd.f32 s5, s17  }
0x109: {  	(v2sf) =	vpush v4, $0x9;
	s8 =	spop (v2sf);
	s3 =	sadd.f32 s3, s9  }
0x10a: {  	s6 =	sadd.f32 s6, s8  }
0x10b: {  	(v2sf) =	vpush v4, $0xA;
	s9 =	rddreg [dreg:$0x13];
	s17 =	spop (v2sf)  }
0x10c: {  	s6 =	sadd.f32 s6, s17  }
0x10d: {  	(v2sf) =	vpush v4, $0xB;
	s17 =	rddreg [dreg:$0x15]  }
0x10e: {  	s10 =	smov.u32 s4;
	s4 =	spop (v2sf);
	s3 =	sadd.f32 s3, s17  }
0x10f: {  	(v2sf) =	vpush v4, $0xC;
	s6 =	sadd.f32 s6, s4  }
0x110: {  	s5 =	spop (v2sf);
	s17 =	rddreg [dreg:$0x12]  }
0x111: {  	(v2sf) =	vpush v4, $0xD;
	s6 =	sadd.f32 s6, s5  }
0x112: {  	(v2sf) =	vpush v4, $0xE;
	s8 =	spop (v2sf);
	s3 =	sadd.f32 s3, s7  }
0x113: {  	s6 =	sadd.f32 s6, s8  }
0x114: {  	s11 =	smov.u32 s12;
	s12 =	spop (v2sf);
	s3 =	sadd.f32 s3, s9  }
0x115: {  	s6 =	sadd.f32 s6, s12  }
0x116: {  	(v2sf) =	vpush v4, $0xF;
	s3 =	sadd.f32 s3, s17;
	s5 =	spop (v2sf)  }
0x117: {  	s4 =	sadd.f32 s6, s5  }
0x118: {  	s8 =	spop (v2sf);
	s6 =	rddreg [dreg:$0x11]  }
0x119: {  	s4 =	sadd.f32 s4, s8  }
0x11a: {  	s12 =	spop (v2sf);
	s3 =	sadd.f32 s3, s6  }
0x11b: {  	s4 =	sadd.f32 s4, s12  }
0x11c: {  	s5 =	spop (v2sf);
	s8 =	rddreg [dreg:$0x10]  }
0x11d: {  	s4 =	sadd.f32 s4, s5  }
0x11e: {  	s7 =	spop (v2sf);
	s3 =	sadd.f32 s3, s8  }
0x11f: {  	s4 =	sadd.f32 s4, s7  }
0x120: {  	s6 =	rddreg [dreg:$0xd];
	s9 =	spop (v2sf);
	v3 =	vmov s3  }
0x121: {  	s12 =	spop (v2sf);
	[tilespmem:$0x13100] =	vst v3;
	s7 =	simm.s32 $0x13100;
	s4 =	sadd.f32 s4, s9  }
0x122: {  	[hbm4b:s6+s2] =	stream.linear.scatter [tilespmem:s7], [sflag:$0x9], $0x80, $0x38;
	[tilespmem:$0x13220] =	vst v63  }
0x123: {  	s3 =	sadd.f32 s4, s12  }
0x124: {  	s4 =	rddreg [dreg:$0xa]  }
0x125: {  	s8 =	simm.s32 $0x9;
	s17 =	spop (v2sf);
	s12 =	rddreg [dreg:$0x6]  }
0x126: {  	_ =	swait.ge [sflag:s8], $0x80;
	s3 =	sadd.f32 s3, s17  }
0x127: {  	[sflag:s8] =	ssyncset.done $0x0  }
0x128: {  	[sflag:s8] =	ssyncadd.s32 $0xFFFFFF80;
	v3 =	vmov s3  }
.Ltmp5:
0x129: {  	s9 =	rddreg [dreg:$0xe];
	s17 =	simm.s32 $0x13180;
	[tilespmem:$0x13180] =	vst v3;
	(pc) =	sbr.rel .LBB2_6-.Ltmp5, $4  }
0x12a: {  	[hbm4b:s9+s2] =	stream.linear.scatter [tilespmem:s17], [sflag:$0x9], $0x80, $0x38;
	[tilespmem:$0x13220] =	vst v63  }
0x12b: {  	_ =	swait.ge [sflag:s8], $0x80  }
0x12c: {  	[sflag:s8] =	ssyncset.done $0x0  }
0x12d: {  	[sflag:s8] =	ssyncadd.s32 $0xFFFFFF80  }
.LBB2_7:
0x12e: {  	_ =	sfence.sel $0x180000  }
0x12f: {  	[bflag:$0x0] =	sbarrier.arrive $0xFFFF  }
0x130: {  	_ =	strace $0x90000047  }
0x131: {  	[bflag:$0x2] =	sbarrier.arrive $0xFFFF  }
0x132: {  	s0 =	rddreg [dreg:$0x4]  }
0x133: {  	s0 =	sadd.s32 @!p0 $0x100000, s0  }
0x134: {  	[sflag:s0] =	ssyncadd.tile.s32 @!p0 $0x1;
	_ =	shalt  }
.Lfunc_end2:
_tile_overlayer_lowered:
.L_overlay_start_2:
0x135: {  	(tag) =	ssettag $0x2  }
0x136: {  	s0 =	rddreg [dreg:$0x0];
	s2 =	stileid.u32  }
0x137: {  	s1 =	rddreg [dreg:$0x1];
	p0 =	sne.s32 s2, $0x0  }
0x138: {  	s3 =	rddreg [dreg:$0x2];
	[bflag:$0x3] =	sbarrier.arrive $0xFFFF;
	s2 =	simm.s32 @!p0 $0x1C09  }
0x139: {  	[timem:s3], [sflag:s2] =	dma.local @!p0 [hbm:s0], s1  }
0x13a: {  	s0 =	simm.s32 @!p0 $0x9  }
0x13b: {  	_ =	swait.ge @!p0 [sflag:s0], s1  }
0x13c: {  	s1 =	ssub.s32 @!p0 $0x0, s1;
	[sflag:s0] =	ssyncset.done @!p0 $0x0  }
0x13d: {  	[sflag:s0] =	ssyncadd.s32 @!p0 s1  }
0x13e: {  	[bflag:$0x3] =	sbarrier.arrive $0xFFFF  }
0x13f: {  	_ =	shalt  }

</sc_bundles>
